<compile_context>
chip_gen: v7x
topology: tpu7x:2x2x1
jax: 0.10.2.dev20260603
libtpu: 0.0.44.dev20260713+nightly
codegen_flags: <defaults>
</compile_context>

<pallas_src>
import functools

import jax
import jax.numpy as jnp
from jax import lax
from jax.experimental import pallas as pl
from jax.experimental.pallas import tpu as pltpu
from jax.experimental.pallas import tpu_sc as plsc

_B, _N, _G, _M = 4, 8192, 256, 32
_D_ENC, _D_TR, _D_EMB = 512, 768, 512
_DEPTH, _HEADS = 12, 12
_HD = _D_TR // _HEADS
_T = _G + 1
_TP = 264
_NR, _NL = 64, 128
_NEG = -1e30
_INF = 1e30



def _fps_body(px_ref, py_ref, pz_ref, cen_ref):
    px = px_ref[...]
    py = py_ref[...]
    pz = pz_ref[...]
    rows8 = lax.broadcasted_iota(jnp.int32, (_B, _G, 8), 1)
    cols8 = lax.broadcasted_iota(jnp.int32, (_B, _G, 8), 2)
    fi = (lax.broadcasted_iota(jnp.int32, (_B, _NR, _NL), 1) * _NL
          + lax.broadcasted_iota(jnp.int32, (_B, _NR, _NL), 2))

    def red(a, op):
        return op(op(a, axis=2, keepdims=True), axis=1, keepdims=True)

    def cen_row(cx, cy, cz):
        return jnp.where(cols8 == 0, cx,
               jnp.where(cols8 == 1, cy,
               jnp.where(cols8 == 2, cz, 0.0)))

    c0x = px[:, 0:1, 0:1]
    c0y = py[:, 0:1, 0:1]
    c0z = pz[:, 0:1, 0:1]
    dists0 = (px - c0x) ** 2 + (py - c0y) ** 2 + (pz - c0z) ** 2
    cen0 = jnp.where(rows8 == 0, cen_row(c0x, c0y, c0z),
                     jnp.zeros((_B, _G, 8), jnp.float32))

    def fps_step(i, carry):
        dists, cen = carry
        m = red(dists, jnp.max)
        idx = red(jnp.where(dists == m, fi, _N), jnp.min)
        onehot = fi == idx
        cx = red(jnp.where(onehot, px, 0.0), jnp.sum)
        cy = red(jnp.where(onehot, py, 0.0), jnp.sum)
        cz = red(jnp.where(onehot, pz, 0.0), jnp.sum)
        cen = jnp.where(rows8 == i, cen_row(cx, cy, cz), cen)
        dnew = (px - cx) ** 2 + (py - cy) ** 2 + (pz - cz) ** 2
        return jnp.minimum(dists, dnew), cen

    _, cen = lax.fori_loop(1, _G, fps_step, (dists0, cen0))
    cen_ref[...] = cen


def _fps(px, py, pz):
    full = lambda s: pl.BlockSpec(s, lambda: tuple(0 for _ in s))
    return pl.pallas_call(
        _fps_body,
        in_specs=[full((_B, _NR, _NL))] * 3,
        out_specs=full((_B, _G, 8)),
        out_shape=jax.ShapeDtypeStruct((_B, _G, 8), jnp.float32),
    )(px, py, pz)


def _knn_body(ptsT_ref, cen_ref, idx_ref):
    b = pl.program_id(0)
    cenT = cen_ref[0]
    P8 = ptsT_ref[0]
    pn = jnp.sum(P8 * P8, axis=0, keepdims=True)
    cn = jnp.sum(cenT * cenT, axis=1, keepdims=True)
    cp = lax.dot_general(cenT, P8, (((1,), (0,)), ((), ())),
                         preferred_element_type=jnp.float32)
    D = pn + cn - 2.0 * cp

    coli = lax.broadcasted_iota(jnp.int32, (_G, _N), 1)
    lane = lax.broadcasted_iota(jnp.int32, (_G, _NL), 1)
    off = b * _N

    def knn_step(k, carry):
        lastd, idxbuf = carry
        m = jnp.min(jnp.where(D > lastd, D, _INF),
                    axis=1, keepdims=True)
        rowidx = jnp.min(jnp.where(D == m, coli, _N),
                         axis=1, keepdims=True)
        idxbuf = jnp.where(lane == k, rowidx + off, idxbuf)
        return m, idxbuf

    _, idxbuf = lax.fori_loop(
        0, _M, knn_step,
        (jnp.full((_G, 1), -_INF, jnp.float32),
         jnp.zeros((_G, _NL), jnp.int32)))
    idx_ref[0] = idxbuf


def _knn(ptsT, cen8):
    return pl.pallas_call(
        _knn_body,
        grid=(_B,),
        in_specs=[
            pl.BlockSpec((1, 8, _N), lambda b: (b, 0, 0)),
            pl.BlockSpec((1, _G, 8), lambda b: (b, 0, 0)),
        ],
        out_specs=pl.BlockSpec((1, _G, _NL), lambda b: (b, 0, 0)),
        out_shape=jax.ShapeDtypeStruct((_B, _G, _NL), jnp.int32),
    )(ptsT, cen8)



def _sc_gather(table, idx):
    tot = idx.shape[0]
    info = plsc.get_sparse_core_info()
    nc = info.num_cores
    nw = nc * info.num_subcores
    bpw = tot // nw
    chunks = bpw // 128
    idx3 = idx.reshape(nw, chunks, 128)
    mesh = plsc.VectorSubcoreMesh(core_axis_name="c", subcore_axis_name="s")

    @functools.partial(
        pl.kernel,
        mesh=mesh,
        compiler_params=pltpu.CompilerParams(use_tc_tiling_on_sc=False),
        out_type=jax.ShapeDtypeStruct((tot, 16), jnp.float32),
        scratch_types=[
            pltpu.VMEM((chunks, 128), jnp.int32),
            pltpu.VMEM((bpw, 16), jnp.float32),
            pltpu.SemaphoreType.DMA,
        ],
    )
    def k(table_hbm, idx_hbm, out_hbm, idx_v, rows_v, sem):
        wid = lax.axis_index("s") * nc + lax.axis_index("c")
        pltpu.sync_copy(idx_hbm.at[wid], idx_v)
        copies = []
        for j in range(chunks):
            copies.append(pltpu.async_copy(
                table_hbm.at[idx_v.at[j]],
                rows_v.at[pl.ds(j * 128, 128)], sem))
        for c in copies:
            c.wait()
        pltpu.sync_copy(rows_v, out_hbm.at[pl.ds(wid * bpw, bpw)])

    return k(table, idx3)



_GB = 128
_ROWS = _GB * _M


def _enc_body(feat_ref, cen_ref, w1_ref, b1_ref, g1_ref, bb1_ref,
              w2_ref, b2_ref, w3_ref, b3_ref, g2_ref, bb2_ref,
              w4_ref, b4_ref, e2tw_ref, e2tb_ref,
              pw1_ref, pb1_ref, pw2_ref, pb2_ref, out_ref):
    x = feat_ref[...]
    c = cen_ref[...]
    x = (x.reshape(_GB, _M, 16) - c[:, None, :]).reshape(_ROWS, 16)
    f = jnp.dot(x, w1_ref[...], preferred_element_type=jnp.float32) + b1_ref[...]
    f = jax.nn.relu(f * g1_ref[...] + bb1_ref[...])
    f = jnp.dot(f, w2_ref[...], preferred_element_type=jnp.float32) + b2_ref[...]
    fg = jnp.max(f.reshape(_GB, _M, 256), axis=1)
    fgb = jnp.broadcast_to(fg[:, None, :], (_GB, _M, 256)).reshape(_ROWS, 256)
    f = jnp.concatenate([fgb, f], axis=-1)
    f = jnp.dot(f, w3_ref[...], preferred_element_type=jnp.float32) + b3_ref[...]
    f = jax.nn.relu(f * g2_ref[...] + bb2_ref[...])
    f = jnp.dot(f, w4_ref[...], preferred_element_type=jnp.float32) + b4_ref[...]
    tok = jnp.max(f.reshape(_GB, _M, _D_ENC), axis=1)
    tok = jnp.dot(tok, e2tw_ref[...], preferred_element_type=jnp.float32) + e2tb_ref[...]
    ph = jax.nn.gelu(jnp.dot(c, pw1_ref[...], preferred_element_type=jnp.float32)
                     + pb1_ref[...])
    pos = jnp.dot(ph, pw2_ref[...], preferred_element_type=jnp.float32) + pb2_ref[...]
    out_ref[...] = tok + pos


def _encoder(feats, cen16, wts):
    nsteps = (_B * _G) // _GB
    const = lambda shape: pl.BlockSpec(shape, lambda i: tuple(0 for _ in shape))
    in_specs = [
        pl.BlockSpec((_ROWS, 16), lambda i: (i, 0)),
        pl.BlockSpec((_GB, 16), lambda i: (i, 0)),
    ] + [const(w.shape) for w in wts]
    return pl.pallas_call(
        _enc_body,
        grid=(nsteps,),
        in_specs=in_specs,
        out_specs=pl.BlockSpec((_GB, _D_TR), lambda i: (i, 0)),
        out_shape=jax.ShapeDtypeStruct((_B * _G, _D_TR), jnp.float32),
    )(feats, cen16, *wts)



def _ln(x, g, b):
    m = jnp.mean(x, axis=-1, keepdims=True)
    v = jnp.mean((x - m) ** 2, axis=-1, keepdims=True)
    return (x - m) / jnp.sqrt(v + 1e-5) * g + b


_KJ = 4
_HCH = 4 * _D_TR // _KJ


def _tr_body(x0_ref, l1g_ref, l1b_ref, qkvw_ref, qkvb_ref, pw_ref, pb_ref,
             l2g_ref, l2b_ref, m1w_ref, m1b_ref, m2w_ref, m2b_ref,
             ng_ref, nb_ref, t2ew_ref, t2eb_ref, out_ref, x_ref, acc_ref,
             h2n_ref):
    d = pl.program_id(0)
    j = pl.program_id(1)

    @pl.when((d == 0) & (j == 0))
    def _():
        x_ref[...] = x0_ref[...]

    @pl.when(j == 0)
    def _():
        x = x_ref[...]
        keymask = jnp.where(
            lax.broadcasted_iota(jnp.int32, (1, 1, _TP), 2) >= _T, _NEG, 0.0)
        h = _ln(x, l1g_ref[0], l1b_ref[0])
        y = jnp.dot(h, qkvw_ref[0], preferred_element_type=jnp.float32) \
            + qkvb_ref[0]
        y3 = y.reshape(_B, _TP, 3 * _D_TR)
        heads = []
        for hh in range(_HEADS):
            q = y3[:, :, hh * _HD:(hh + 1) * _HD]
            k = y3[:, :, _D_TR + hh * _HD:_D_TR + (hh + 1) * _HD]
            v = y3[:, :, 2 * _D_TR + hh * _HD:2 * _D_TR + (hh + 1) * _HD]
            s = lax.dot_general(q, k, (((2,), (2,)), ((0,), (0,))),
                                preferred_element_type=jnp.float32)
            s = s * (1.0 / (_HD ** 0.5)) + keymask
            smax = jnp.max(s, axis=-1, keepdims=True)
            e = jnp.exp(s - smax)
            p = e / jnp.sum(e, axis=-1, keepdims=True)
            heads.append(lax.dot_general(p, v, (((2,), (1,)), ((0,), (0,))),
                                         preferred_element_type=jnp.float32))
        att = jnp.concatenate(heads, axis=2).reshape(_B * _TP, _D_TR)
        xa = x + jnp.dot(att, pw_ref[0],
                         preferred_element_type=jnp.float32) + pb_ref[0]
        x_ref[...] = xa
        h2n_ref[...] = _ln(xa, l2g_ref[0], l2b_ref[0])
        acc_ref[...] = jnp.zeros((_B * _TP, _D_TR), jnp.float32)

    x = x_ref[...]
    h2 = jax.nn.gelu(jnp.dot(h2n_ref[...], m1w_ref[0],
                             preferred_element_type=jnp.float32) + m1b_ref[0])
    acc_ref[...] += jnp.dot(h2, m2w_ref[0], preferred_element_type=jnp.float32)

    @pl.when(j == _KJ - 1)
    def _():
        xn = x + acc_ref[...] + m2b_ref[0]
        x_ref[...] = xn

        @pl.when(d == _DEPTH - 1)
        def _():
            cls = xn.reshape(_B, _TP, _D_TR)[:, 0, :]
            cls = _ln(cls, ng_ref[...], nb_ref[...])
            emb = jnp.dot(cls, t2ew_ref[...],
                          preferred_element_type=jnp.float32) + t2eb_ref[...]
            out_ref[...] = jnp.concatenate(
                [emb, jnp.zeros((8 - _B, _D_EMB), jnp.float32)], axis=0)


def _transformer(x0, bp, ng, nb, t2ew, t2eb):
    def lay(w):
        shape = (1,) + w.shape[1:]
        return pl.BlockSpec(shape, lambda d, j: (d,) + tuple(0 for _ in w.shape[1:]))
    const = lambda w: pl.BlockSpec(w.shape, lambda d, j: tuple(0 for _ in w.shape))
    def v3(w):
        return w.reshape(_DEPTH, 1, w.shape[1]) if w.ndim == 2 else w
    wts = [v3(bp['ln1_g']), v3(bp['ln1_b']), bp['qkv_W'], v3(bp['qkv_b']),
           bp['proj_W'], v3(bp['proj_b']), v3(bp['ln2_g']), v3(bp['ln2_b'])]
    in_specs = [pl.BlockSpec((_B * _TP, _D_TR), lambda d, j: (0, 0))] \
        + [lay(w) for w in wts] + [
        pl.BlockSpec((1, _D_TR, _HCH), lambda d, j: (d, 0, j)),
        pl.BlockSpec((1, 1, _HCH), lambda d, j: (d, 0, j)),
        pl.BlockSpec((1, _HCH, _D_TR), lambda d, j: (d, j, 0)),
        pl.BlockSpec((1, 1, _D_TR), lambda d, j: (d, 0, 0)),
    ] + [const(w) for w in (ng, nb, t2ew, t2eb)]
    return pl.pallas_call(
        _tr_body,
        grid=(_DEPTH, _KJ),
        compiler_params=pltpu.CompilerParams(
            vmem_limit_bytes=100 * 1024 * 1024),
        in_specs=in_specs,
        out_specs=pl.BlockSpec((8, _D_EMB), lambda d, j: (0, 0)),
        out_shape=jax.ShapeDtypeStruct((8, _D_EMB), jnp.float32),
        scratch_shapes=[pltpu.VMEM((_B * _TP, _D_TR), jnp.float32),
                        pltpu.VMEM((_B * _TP, _D_TR), jnp.float32),
                        pltpu.VMEM((_B * _TP, _D_TR), jnp.float32)],
    )(x0, *wts, bp['mlp_W1'], v3(bp['mlp_b1']), bp['mlp_W2'],
      v3(bp['mlp_b2']), ng, nb, t2ew, t2eb)



def kernel(pts, colors, params):
    p = params
    ptsT = jnp.concatenate(
        [jnp.transpose(pts, (0, 2, 1)),
         jnp.zeros((_B, 5, _N), jnp.float32)], axis=1)
    px = pts[:, :, 0].reshape(_B, _NR, _NL)
    py = pts[:, :, 1].reshape(_B, _NR, _NL)
    pz = pts[:, :, 2].reshape(_B, _NR, _NL)
    cen8 = _fps(px, py, pz)
    idxp = _knn(ptsT, cen8)

    idxf = idxp[:, :, :_M].reshape(_B * _G * _M)
    table = jnp.concatenate([pts, colors], axis=-1).reshape(_B * _N, 6)
    table = jnp.pad(table, ((0, 0), (0, 10)))
    gathered = _sc_gather(table, idxf)

    cen16 = jnp.pad(cen8.reshape(_B * _G, 8), ((0, 0), (0, 8)))
    w1p = jnp.pad(p['enc_W1'], ((0, 10), (0, 0)))
    pw1p = jnp.pad(p['pos_W1'], ((0, 13), (0, 0)))
    wts = [w1p, p['enc_b1'], p['bn1_g'], p['bn1_b'],
           p['enc_W2'], p['enc_b2'], p['enc_W3'], p['enc_b3'],
           p['bn2_g'], p['bn2_b'], p['enc_W4'], p['enc_b4'],
           p['e2t_W'], p['e2t_b'], pw1p, p['pos_b1'],
           p['pos_W2'], p['pos_b2']]
    tokpos = _encoder(gathered, cen16, wts)

    cls = jnp.broadcast_to(p['cls_token'] + p['cls_pos'], (_B, 1, _D_TR))
    x0 = jnp.concatenate([cls, tokpos.reshape(_B, _G, _D_TR)], axis=1)
    x0 = jnp.pad(x0, ((0, 0), (0, _TP - _T), (0, 0))).reshape(_B * _TP, _D_TR)
    emb = _transformer(x0, p['blocks'], p['norm_g'], p['norm_b'],
                       p['t2e_W'], p['t2e_b'])
    return emb[:_B]

# --- scband reference (transcript-rebuilt; emitter-appended) ---
"""Pipeline reference for scband-pointcloud-encoder-37598143709547 (READ-ONLY COPY).

The authoritative reference and input builder live on the scoring server;
editing this copy changes nothing except your own understanding.
"""

import jax, jax.numpy as jnp
import numpy as np

B, N, G, M = 4, 8192, 256, 32
D_ENC, D_TR, D_EMB = 512, 768, 512
DEPTH, HEADS = 12, 12


def make_params():
    rng = np.random.default_rng(0)
    def w(*s):
        return jnp.asarray(rng.normal(0.0, 0.02, s), jnp.float32)
    def z(*s):
        return jnp.zeros(s, jnp.float32)
    def o(*s):
        return jnp.ones(s, jnp.float32)
    return dict(
        enc_W1=w(6, 128), enc_b1=z(128), bn1_g=o(128), bn1_b=z(128),
        enc_W2=w(128, 256), enc_b2=z(256),
        enc_W3=w(512, 512), enc_b3=z(512), bn2_g=o(512), bn2_b=z(512),
        enc_W4=w(512, D_ENC), enc_b4=z(D_ENC),
        e2t_W=w(D_ENC, D_TR), e2t_b=z(D_TR),
        cls_token=z(1, 1, D_TR), cls_pos=w(1, 1, D_TR),
        pos_W1=w(3, 128), pos_b1=z(128), pos_W2=w(128, D_TR), pos_b2=z(D_TR),
        norm_g=o(D_TR), norm_b=z(D_TR),
        t2e_W=w(D_TR, D_EMB), t2e_b=z(D_EMB),
        blocks=dict(
            ln1_g=o(DEPTH, D_TR), ln1_b=z(DEPTH, D_TR),
            qkv_W=w(DEPTH, D_TR, 3 * D_TR), qkv_b=z(DEPTH, 3 * D_TR),
            proj_W=w(DEPTH, D_TR, D_TR), proj_b=z(DEPTH, D_TR),
            ln2_g=o(DEPTH, D_TR), ln2_b=z(DEPTH, D_TR),
            mlp_W1=w(DEPTH, D_TR, 4 * D_TR), mlp_b1=z(DEPTH, 4 * D_TR),
            mlp_W2=w(DEPTH, 4 * D_TR, D_TR), mlp_b2=z(DEPTH, D_TR),
        ),
    )


def setup_inputs(seed: int = 0):
    key = jax.random.key(seed)
    k1, k2 = jax.random.split(key)
    pts = jax.random.normal(k1, (B, N, 3), jnp.float32)
    colors = jax.random.uniform(k2, (B, N, 3), jnp.float32)
    return {"pts": pts, "colors": colors, "params": make_params()}


def fps(xyz, num):
    def single(x):
        d0 = jnp.sum((x - x[0]) ** 2, axis=-1)
        def step(dists, _):
            last = jnp.argmax(dists)
            d = jnp.sum((x - x[last]) ** 2, axis=-1)
            return jnp.minimum(dists, d), last
        _, idxs = jax.lax.scan(step, d0, None, length=num - 1)
        sel = jnp.concatenate([jnp.zeros((1,), idxs.dtype), idxs])
        return x[sel]
    return jax.vmap(single)(xyz)


def square_distance(src, dst):
    d = -2.0 * jnp.matmul(src, dst.transpose(0, 2, 1))
    d = d + jnp.sum(src ** 2, -1)[..., None]
    d = d + jnp.sum(dst ** 2, -1)[:, None, :]
    return d


def knn_point(nsample, xyz, new_xyz):
    sq = square_distance(new_xyz, xyz)
    _, idx = jax.lax.top_k(-sq, nsample)
    return idx


def ln(x, g, b):
    m = jnp.mean(x, axis=-1, keepdims=True)
    v = jnp.var(x, axis=-1, keepdims=True)
    return (x - m) / jnp.sqrt(v + 1e-5) * g + b


def forward(pts, colors, p):
    Bb = pts.shape[0]
    center = fps(pts, G)
    idx = knn_point(M, pts, center)
    flat = idx.reshape(Bb, G * M)
    nb = jax.vmap(lambda x, i: x[i])(pts, flat).reshape(Bb, G, M, 3)
    nbc = jax.vmap(lambda x, i: x[i])(colors, flat).reshape(Bb, G, M, 3)
    nb = nb - center[:, :, None, :]
    feats = jnp.concatenate([nb, nbc], axis=-1)
    x = feats.reshape(Bb * G, M, 6)
    f = x @ p['enc_W1'] + p['enc_b1']
    f = jax.nn.relu(f * p['bn1_g'] + p['bn1_b'])
    f = f @ p['enc_W2'] + p['enc_b2']
    fg = jnp.max(f, axis=1, keepdims=True)
    f = jnp.concatenate([jnp.broadcast_to(fg, (Bb * G, M, 256)), f], axis=-1)
    f = f @ p['enc_W3'] + p['enc_b3']
    f = jax.nn.relu(f * p['bn2_g'] + p['bn2_b'])
    f = f @ p['enc_W4'] + p['enc_b4']
    tok = jnp.max(f, axis=1).reshape(Bb, G, D_ENC)
    tok = tok @ p['e2t_W'] + p['e2t_b']
    pos = jax.nn.gelu(center @ p['pos_W1'] + p['pos_b1']) @ p['pos_W2'] + p['pos_b2']
    cls = jnp.broadcast_to(p['cls_token'], (Bb, 1, D_TR))
    clsp = jnp.broadcast_to(p['cls_pos'], (Bb, 1, D_TR))
    x = jnp.concatenate([cls, tok], axis=1) + jnp.concatenate([clsp, pos], axis=1)
    def blk(xc, bp):
        T = xc.shape[1]
        h = ln(xc, bp['ln1_g'], bp['ln1_b'])
        qkv = (h @ bp['qkv_W'] + bp['qkv_b']).reshape(Bb, T, 3, HEADS, D_TR // HEADS)
        q = qkv[:, :, 0].transpose(0, 2, 1, 3)
        k = qkv[:, :, 1].transpose(0, 2, 1, 3)
        v = qkv[:, :, 2].transpose(0, 2, 1, 3)
        att = jax.nn.softmax(q @ k.transpose(0, 1, 3, 2) / np.sqrt(D_TR // HEADS), axis=-1)
        o = (att @ v).transpose(0, 2, 1, 3).reshape(Bb, T, D_TR)
        xc = xc + o @ bp['proj_W'] + bp['proj_b']
        h2 = ln(xc, bp['ln2_g'], bp['ln2_b'])
        h2 = jax.nn.gelu(h2 @ bp['mlp_W1'] + bp['mlp_b1']) @ bp['mlp_W2'] + bp['mlp_b2']
        return xc + h2, None
    x, _ = jax.lax.scan(blk, x, p['blocks'])
    cls_out = ln(x[:, 0, :], p['norm_g'], p['norm_b'])
    return cls_out @ p['t2e_W'] + p['t2e_b']


def reference(pts, colors, params):
    return forward(pts, colors, params)

if __name__ == "__main__":
    import jax
    _d = setup_inputs()
    print(jax.jit(kernel)(*tuple(_d.values())))

</pallas_src>

<mosaic_0001>
#map = affine_map<(d0, d1) -> (0, 0)>
#map1 = affine_map<(d0, d1) -> (0, 0, 0)>
module attributes {stable_mosaic.version = 14 : i64} {
  func.func @k(%arg0: i32, %arg1: i32, %arg2: memref<32768x16xf32, #tpu.memory_space<hbm>>, %arg3: memref<32x8x128xi32, #tpu.memory_space<hbm>>, %arg4: memref<32768x16xf32, #tpu.memory_space<hbm>>, %arg5: memref<8x128xi32, #tpu.memory_space<vmem>>, %arg6: memref<1024x16xf32, #tpu.memory_space<vmem>>, %arg7: memref<!tpu.dma_semaphore, #tpu.memory_space<semaphore_mem>>) attributes {dimension_semantics = [#tpu.dimension_semantics<core_parallel>, #tpu.dimension_semantics<subcore_parallel>], iteration_bounds = array<i64: 2, 16>, scalar_prefetch = 0 : i64, scratch_operands = 3 : i64, tpu.core_type = #tpu.core_type<sc_vector_subcore>, window_params = [{transform_indices = #map}, {transform_indices = #map1}, {transform_indices = #map}]} {
    %mul3A = arith.constant 2 : i32
    %mul3A_0 = arith.muli %arg1, %mul3A : i32
    %add3A = arith.addi %mul3A_0, %arg0 : i32
    "tpu.region"() ({
      %run_scoped3A = tpu.sem_alloc : memref<!tpu.dma_semaphore, #tpu.memory_space<semaphore_mem>>
      %dma_start3A_161 = arith.constant 0 : i32
      %dma_start3A_162 = arith.constant 0 : i32
      %dma_start3A_163 = tpu.memref_slice %arg3[%add3A, %dma_start3A_161, %dma_start3A_162] : memref<32x8x128xi32, #tpu.memory_space<hbm>> -> memref<1x8x128xi32, #tpu.memory_space<hbm>>
      %dma_start3A_164 = tpu.memref_squeeze %dma_start3A_163 : memref<1x8x128xi32, #tpu.memory_space<hbm>> -> memref<8x128xi32, #tpu.memory_space<hbm>>
      %dma_start3A_165 = arith.constant 0 : i32
      %dma_start3A_166 = arith.constant 0 : i32
      %dma_start3A_167 = tpu.memref_slice %arg3[%add3A, %dma_start3A_165, %dma_start3A_166] : memref<32x8x128xi32, #tpu.memory_space<hbm>> -> memref<1x8x128xi32, #tpu.memory_space<hbm>>
      %dma_start3A_168 = tpu.memref_squeeze %dma_start3A_167 : memref<1x8x128xi32, #tpu.memory_space<hbm>> -> memref<8x128xi32, #tpu.memory_space<hbm>>
      tpu.enqueue_dma source(%dma_start3A_168 : memref<8x128xi32, #tpu.memory_space<hbm>>) target(%arg5 : memref<8x128xi32, #tpu.memory_space<vmem>>) target_semaphore(%run_scoped3A : memref<!tpu.dma_semaphore, #tpu.memory_space<semaphore_mem>>)
      %dma_wait3A_169 = arith.constant 0 : i32
      %dma_wait3A_170 = arith.constant 0 : i32
      %dma_wait3A_171 = tpu.memref_slice %arg3[%add3A, %dma_wait3A_169, %dma_wait3A_170] : memref<32x8x128xi32, #tpu.memory_space<hbm>> -> memref<1x8x128xi32, #tpu.memory_space<hbm>>
      %dma_wait3A_172 = tpu.memref_squeeze %dma_wait3A_171 : memref<1x8x128xi32, #tpu.memory_space<hbm>> -> memref<8x128xi32, #tpu.memory_space<hbm>>
      %dma_wait3A_173 = arith.constant 0 : i32
      %dma_wait3A_174 = arith.constant 0 : i32
      %dma_wait3A_175 = tpu.memref_slice %arg3[%add3A, %dma_wait3A_173, %dma_wait3A_174] : memref<32x8x128xi32, #tpu.memory_space<hbm>> -> memref<1x8x128xi32, #tpu.memory_space<hbm>>
      %dma_wait3A_176 = tpu.memref_squeeze %dma_wait3A_175 : memref<1x8x128xi32, #tpu.memory_space<hbm>> -> memref<8x128xi32, #tpu.memory_space<hbm>>
      tpu.wait_dma2 semaphore(%run_scoped3A : memref<!tpu.dma_semaphore, #tpu.memory_space<semaphore_mem>>) src(%dma_wait3A_176 : memref<8x128xi32, #tpu.memory_space<hbm>>) dst(%arg5 : memref<8x128xi32, #tpu.memory_space<vmem>>)
      tpu.yield
    }) : () -> ()
    %dma_start3A = arith.constant 0 : i32
    %dma_start3A_1 = arith.constant 0 : i32
    %dma_start3A_2 = arith.constant 0 : i32
    %dma_start3A_3 = tpu.memref_slice %arg6[%dma_start3A_1, %dma_start3A_2] : memref<1024x16xf32, #tpu.memory_space<vmem>> -> memref<128x16xf32, #tpu.memory_space<vmem>>
    %dma_start3A_4 = arith.constant 0 : i32
    %dma_start3A_5 = tpu.memref_slice %arg5[%dma_start3A, %dma_start3A_4] : memref<8x128xi32, #tpu.memory_space<vmem>> -> memref<1x128xi32, #tpu.memory_space<vmem>>
    %dma_start3A_6 = tpu.memref_squeeze %dma_start3A_5 : memref<1x128xi32, #tpu.memory_space<vmem>> -> memref<128xi32, #tpu.memory_space<vmem>>
    %dma_start3A_7 = arith.constant 0 : i32
    %dma_start3A_8 = arith.constant 0 : i32
    %dma_start3A_9 = tpu.memref_slice %arg2[%dma_start3A_7, %dma_start3A_8] : memref<32768x16xf32, #tpu.memory_space<hbm>> -> memref<32768x16xf32, #tpu.memory_space<hbm>>
    tpu.enqueue_indirect_dma source(%dma_start3A_9 : memref<32768x16xf32, #tpu.memory_space<hbm>>) target(%dma_start3A_3 : memref<128x16xf32, #tpu.memory_space<vmem>>) offsets(%dma_start3A_6 : memref<128xi32, #tpu.memory_space<vmem>>) semaphore(%arg7 : memref<!tpu.dma_semaphore, #tpu.memory_space<semaphore_mem>>)
    %dma_start3A_10 = arith.constant 1 : i32
    %dma_start3A_11 = arith.constant 128 : i32
    %dma_start3A_12 = arith.constant 0 : i32
    %dma_start3A_13 = tpu.memref_slice %arg6[%dma_start3A_11, %dma_start3A_12] : memref<1024x16xf32, #tpu.memory_space<vmem>> -> memref<128x16xf32, #tpu.memory_space<vmem>>
    %dma_start3A_14 = arith.constant 0 : i32
    %dma_start3A_15 = tpu.memref_slice %arg5[%dma_start3A_10, %dma_start3A_14] : memref<8x128xi32, #tpu.memory_space<vmem>> -> memref<1x128xi32, #tpu.memory_space<vmem>>
    %dma_start3A_16 = tpu.memref_squeeze %dma_start3A_15 : memref<1x128xi32, #tpu.memory_space<vmem>> -> memref<128xi32, #tpu.memory_space<vmem>>
    %dma_start3A_17 = arith.constant 0 : i32
    %dma_start3A_18 = arith.constant 0 : i32
    %dma_start3A_19 = tpu.memref_slice %arg2[%dma_start3A_17, %dma_start3A_18] : memref<32768x16xf32, #tpu.memory_space<hbm>> -> memref<32768x16xf32, #tpu.memory_space<hbm>>
    tpu.enqueue_indirect_dma source(%dma_start3A_19 : memref<32768x16xf32, #tpu.memory_space<hbm>>) target(%dma_start3A_13 : memref<128x16xf32, #tpu.memory_space<vmem>>) offsets(%dma_start3A_16 : memref<128xi32, #tpu.memory_space<vmem>>) semaphore(%arg7 : memref<!tpu.dma_semaphore, #tpu.memory_space<semaphore_mem>>)
    %dma_start3A_20 = arith.constant 2 : i32
    %dma_start3A_21 = arith.constant 256 : i32
    %dma_start3A_22 = arith.constant 0 : i32
    %dma_start3A_23 = tpu.memref_slice %arg6[%dma_start3A_21, %dma_start3A_22] : memref<1024x16xf32, #tpu.memory_space<vmem>> -> memref<128x16xf32, #tpu.memory_space<vmem>>
    %dma_start3A_24 = arith.constant 0 : i32
    %dma_start3A_25 = tpu.memref_slice %arg5[%dma_start3A_20, %dma_start3A_24] : memref<8x128xi32, #tpu.memory_space<vmem>> -> memref<1x128xi32, #tpu.memory_space<vmem>>
    %dma_start3A_26 = tpu.memref_squeeze %dma_start3A_25 : memref<1x128xi32, #tpu.memory_space<vmem>> -> memref<128xi32, #tpu.memory_space<vmem>>
    %dma_start3A_27 = arith.constant 0 : i32
    %dma_start3A_28 = arith.constant 0 : i32
    %dma_start3A_29 = tpu.memref_slice %arg2[%dma_start3A_27, %dma_start3A_28] : memref<32768x16xf32, #tpu.memory_space<hbm>> -> memref<32768x16xf32, #tpu.memory_space<hbm>>
    tpu.enqueue_indirect_dma source(%dma_start3A_29 : memref<32768x16xf32, #tpu.memory_space<hbm>>) target(%dma_start3A_23 : memref<128x16xf32, #tpu.memory_space<vmem>>) offsets(%dma_start3A_26 : memref<128xi32, #tpu.memory_space<vmem>>) semaphore(%arg7 : memref<!tpu.dma_semaphore, #tpu.memory_space<semaphore_mem>>)
    %dma_start3A_30 = arith.constant 3 : i32
    %dma_start3A_31 = arith.constant 384 : i32
    %dma_start3A_32 = arith.constant 0 : i32
    %dma_start3A_33 = tpu.memref_slice %arg6[%dma_start3A_31, %dma_start3A_32] : memref<1024x16xf32, #tpu.memory_space<vmem>> -> memref<128x16xf32, #tpu.memory_space<vmem>>
    %dma_start3A_34 = arith.constant 0 : i32
    %dma_start3A_35 = tpu.memref_slice %arg5[%dma_start3A_30, %dma_start3A_34] : memref<8x128xi32, #tpu.memory_space<vmem>> -> memref<1x128xi32, #tpu.memory_space<vmem>>
    %dma_start3A_36 = tpu.memref_squeeze %dma_start3A_35 : memref<1x128xi32, #tpu.memory_space<vmem>> -> memref<128xi32, #tpu.memory_space<vmem>>
    %dma_start3A_37 = arith.constant 0 : i32
    %dma_start3A_38 = arith.constant 0 : i32
    %dma_start3A_39 = tpu.memref_slice %arg2[%dma_start3A_37, %dma_start3A_38] : memref<32768x16xf32, #tpu.memory_space<hbm>> -> memref<32768x16xf32, #tpu.memory_space<hbm>>
    tpu.enqueue_indirect_dma source(%dma_start3A_39 : memref<32768x16xf32, #tpu.memory_space<hbm>>) target(%dma_start3A_33 : memref<128x16xf32, #tpu.memory_space<vmem>>) offsets(%dma_start3A_36 : memref<128xi32, #tpu.memory_space<vmem>>) semaphore(%arg7 : memref<!tpu.dma_semaphore, #tpu.memory_space<semaphore_mem>>)
    %dma_start3A_40 = arith.constant 4 : i32
    %dma_start3A_41 = arith.constant 512 : i32
    %dma_start3A_42 = arith.constant 0 : i32
    %dma_start3A_43 = tpu.memref_slice %arg6[%dma_start3A_41, %dma_start3A_42] : memref<1024x16xf32, #tpu.memory_space<vmem>> -> memref<128x16xf32, #tpu.memory_space<vmem>>
    %dma_start3A_44 = arith.constant 0 : i32
    %dma_start3A_45 = tpu.memref_slice %arg5[%dma_start3A_40, %dma_start3A_44] : memref<8x128xi32, #tpu.memory_space<vmem>> -> memref<1x128xi32, #tpu.memory_space<vmem>>
    %dma_start3A_46 = tpu.memref_squeeze %dma_start3A_45 : memref<1x128xi32, #tpu.memory_space<vmem>> -> memref<128xi32, #tpu.memory_space<vmem>>
    %dma_start3A_47 = arith.constant 0 : i32
    %dma_start3A_48 = arith.constant 0 : i32
    %dma_start3A_49 = tpu.memref_slice %arg2[%dma_start3A_47, %dma_start3A_48] : memref<32768x16xf32, #tpu.memory_space<hbm>> -> memref<32768x16xf32, #tpu.memory_space<hbm>>
    tpu.enqueue_indirect_dma source(%dma_start3A_49 : memref<32768x16xf32, #tpu.memory_space<hbm>>) target(%dma_start3A_43 : memref<128x16xf32, #tpu.memory_space<vmem>>) offsets(%dma_start3A_46 : memref<128xi32, #tpu.memory_space<vmem>>) semaphore(%arg7 : memref<!tpu.dma_semaphore, #tpu.memory_space<semaphore_mem>>)
    %dma_start3A_50 = arith.constant 5 : i32
    %dma_start3A_51 = arith.constant 640 : i32
    %dma_start3A_52 = arith.constant 0 : i32
    %dma_start3A_53 = tpu.memref_slice %arg6[%dma_start3A_51, %dma_start3A_52] : memref<1024x16xf32, #tpu.memory_space<vmem>> -> memref<128x16xf32, #tpu.memory_space<vmem>>
    %dma_start3A_54 = arith.constant 0 : i32
    %dma_start3A_55 = tpu.memref_slice %arg5[%dma_start3A_50, %dma_start3A_54] : memref<8x128xi32, #tpu.memory_space<vmem>> -> memref<1x128xi32, #tpu.memory_space<vmem>>
    %dma_start3A_56 = tpu.memref_squeeze %dma_start3A_55 : memref<1x128xi32, #tpu.memory_space<vmem>> -> memref<128xi32, #tpu.memory_space<vmem>>
    %dma_start3A_57 = arith.constant 0 : i32
    %dma_start3A_58 = arith.constant 0 : i32
    %dma_start3A_59 = tpu.memref_slice %arg2[%dma_start3A_57, %dma_start3A_58] : memref<32768x16xf32, #tpu.memory_space<hbm>> -> memref<32768x16xf32, #tpu.memory_space<hbm>>
    tpu.enqueue_indirect_dma source(%dma_start3A_59 : memref<32768x16xf32, #tpu.memory_space<hbm>>) target(%dma_start3A_53 : memref<128x16xf32, #tpu.memory_space<vmem>>) offsets(%dma_start3A_56 : memref<128xi32, #tpu.memory_space<vmem>>) semaphore(%arg7 : memref<!tpu.dma_semaphore, #tpu.memory_space<semaphore_mem>>)
    %dma_start3A_60 = arith.constant 6 : i32
    %dma_start3A_61 = arith.constant 768 : i32
    %dma_start3A_62 = arith.constant 0 : i32
    %dma_start3A_63 = tpu.memref_slice %arg6[%dma_start3A_61, %dma_start3A_62] : memref<1024x16xf32, #tpu.memory_space<vmem>> -> memref<128x16xf32, #tpu.memory_space<vmem>>
    %dma_start3A_64 = arith.constant 0 : i32
    %dma_start3A_65 = tpu.memref_slice %arg5[%dma_start3A_60, %dma_start3A_64] : memref<8x128xi32, #tpu.memory_space<vmem>> -> memref<1x128xi32, #tpu.memory_space<vmem>>
    %dma_start3A_66 = tpu.memref_squeeze %dma_start3A_65 : memref<1x128xi32, #tpu.memory_space<vmem>> -> memref<128xi32, #tpu.memory_space<vmem>>
    %dma_start3A_67 = arith.constant 0 : i32
    %dma_start3A_68 = arith.constant 0 : i32
    %dma_start3A_69 = tpu.memref_slice %arg2[%dma_start3A_67, %dma_start3A_68] : memref<32768x16xf32, #tpu.memory_space<hbm>> -> memref<32768x16xf32, #tpu.memory_space<hbm>>
    tpu.enqueue_indirect_dma source(%dma_start3A_69 : memref<32768x16xf32, #tpu.memory_space<hbm>>) target(%dma_start3A_63 : memref<128x16xf32, #tpu.memory_space<vmem>>) offsets(%dma_start3A_66 : memref<128xi32, #tpu.memory_space<vmem>>) semaphore(%arg7 : memref<!tpu.dma_semaphore, #tpu.memory_space<semaphore_mem>>)
    %dma_start3A_70 = arith.constant 7 : i32
    %dma_start3A_71 = arith.constant 896 : i32
    %dma_start3A_72 = arith.constant 0 : i32
    %dma_start3A_73 = tpu.memref_slice %arg6[%dma_start3A_71, %dma_start3A_72] : memref<1024x16xf32, #tpu.memory_space<vmem>> -> memref<128x16xf32, #tpu.memory_space<vmem>>
    %dma_start3A_74 = arith.constant 0 : i32
    %dma_start3A_75 = tpu.memref_slice %arg5[%dma_start3A_70, %dma_start3A_74] : memref<8x128xi32, #tpu.memory_space<vmem>> -> memref<1x128xi32, #tpu.memory_space<vmem>>
    %dma_start3A_76 = tpu.memref_squeeze %dma_start3A_75 : memref<1x128xi32, #tpu.memory_space<vmem>> -> memref<128xi32, #tpu.memory_space<vmem>>
    %dma_start3A_77 = arith.constant 0 : i32
    %dma_start3A_78 = arith.constant 0 : i32
    %dma_start3A_79 = tpu.memref_slice %arg2[%dma_start3A_77, %dma_start3A_78] : memref<32768x16xf32, #tpu.memory_space<hbm>> -> memref<32768x16xf32, #tpu.memory_space<hbm>>
    tpu.enqueue_indirect_dma source(%dma_start3A_79 : memref<32768x16xf32, #tpu.memory_space<hbm>>) target(%dma_start3A_73 : memref<128x16xf32, #tpu.memory_space<vmem>>) offsets(%dma_start3A_76 : memref<128xi32, #tpu.memory_space<vmem>>) semaphore(%arg7 : memref<!tpu.dma_semaphore, #tpu.memory_space<semaphore_mem>>)
    %dma_wait3A = arith.constant 0 : i32
    %dma_wait3A_80 = arith.constant 0 : i32
    %dma_wait3A_81 = arith.constant 0 : i32
    %dma_wait3A_82 = tpu.memref_slice %arg6[%dma_wait3A_80, %dma_wait3A_81] : memref<1024x16xf32, #tpu.memory_space<vmem>> -> memref<128x16xf32, #tpu.memory_space<vmem>>
    %dma_wait3A_83 = arith.constant 0 : i32
    %dma_wait3A_84 = tpu.memref_slice %arg5[%dma_wait3A, %dma_wait3A_83] : memref<8x128xi32, #tpu.memory_space<vmem>> -> memref<1x128xi32, #tpu.memory_space<vmem>>
    %dma_wait3A_85 = tpu.memref_squeeze %dma_wait3A_84 : memref<1x128xi32, #tpu.memory_space<vmem>> -> memref<128xi32, #tpu.memory_space<vmem>>
    %dma_wait3A_86 = arith.constant 0 : i32
    %dma_wait3A_87 = arith.constant 0 : i32
    %dma_wait3A_88 = tpu.memref_slice %arg2[%dma_wait3A_86, %dma_wait3A_87] : memref<32768x16xf32, #tpu.memory_space<hbm>> -> memref<32768x16xf32, #tpu.memory_space<hbm>>
    tpu.wait_indirect_dma semaphore(%arg7 : memref<!tpu.dma_semaphore, #tpu.memory_space<semaphore_mem>>) src(%dma_wait3A_88 : memref<32768x16xf32, #tpu.memory_space<hbm>>) dst(%dma_wait3A_82 : memref<128x16xf32, #tpu.memory_space<vmem>>)
    %dma_wait3A_89 = arith.constant 1 : i32
    %dma_wait3A_90 = arith.constant 128 : i32
    %dma_wait3A_91 = arith.constant 0 : i32
    %dma_wait3A_92 = tpu.memref_slice %arg6[%dma_wait3A_90, %dma_wait3A_91] : memref<1024x16xf32, #tpu.memory_space<vmem>> -> memref<128x16xf32, #tpu.memory_space<vmem>>
    %dma_wait3A_93 = arith.constant 0 : i32
    %dma_wait3A_94 = tpu.memref_slice %arg5[%dma_wait3A_89, %dma_wait3A_93] : memref<8x128xi32, #tpu.memory_space<vmem>> -> memref<1x128xi32, #tpu.memory_space<vmem>>
    %dma_wait3A_95 = tpu.memref_squeeze %dma_wait3A_94 : memref<1x128xi32, #tpu.memory_space<vmem>> -> memref<128xi32, #tpu.memory_space<vmem>>
    %dma_wait3A_96 = arith.constant 0 : i32
    %dma_wait3A_97 = arith.constant 0 : i32
    %dma_wait3A_98 = tpu.memref_slice %arg2[%dma_wait3A_96, %dma_wait3A_97] : memref<32768x16xf32, #tpu.memory_space<hbm>> -> memref<32768x16xf32, #tpu.memory_space<hbm>>
    tpu.wait_indirect_dma semaphore(%arg7 : memref<!tpu.dma_semaphore, #tpu.memory_space<semaphore_mem>>) src(%dma_wait3A_98 : memref<32768x16xf32, #tpu.memory_space<hbm>>) dst(%dma_wait3A_92 : memref<128x16xf32, #tpu.memory_space<vmem>>)
    %dma_wait3A_99 = arith.constant 2 : i32
    %dma_wait3A_100 = arith.constant 256 : i32
    %dma_wait3A_101 = arith.constant 0 : i32
    %dma_wait3A_102 = tpu.memref_slice %arg6[%dma_wait3A_100, %dma_wait3A_101] : memref<1024x16xf32, #tpu.memory_space<vmem>> -> memref<128x16xf32, #tpu.memory_space<vmem>>
    %dma_wait3A_103 = arith.constant 0 : i32
    %dma_wait3A_104 = tpu.memref_slice %arg5[%dma_wait3A_99, %dma_wait3A_103] : memref<8x128xi32, #tpu.memory_space<vmem>> -> memref<1x128xi32, #tpu.memory_space<vmem>>
    %dma_wait3A_105 = tpu.memref_squeeze %dma_wait3A_104 : memref<1x128xi32, #tpu.memory_space<vmem>> -> memref<128xi32, #tpu.memory_space<vmem>>
    %dma_wait3A_106 = arith.constant 0 : i32
    %dma_wait3A_107 = arith.constant 0 : i32
    %dma_wait3A_108 = tpu.memref_slice %arg2[%dma_wait3A_106, %dma_wait3A_107] : memref<32768x16xf32, #tpu.memory_space<hbm>> -> memref<32768x16xf32, #tpu.memory_space<hbm>>
    tpu.wait_indirect_dma semaphore(%arg7 : memref<!tpu.dma_semaphore, #tpu.memory_space<semaphore_mem>>) src(%dma_wait3A_108 : memref<32768x16xf32, #tpu.memory_space<hbm>>) dst(%dma_wait3A_102 : memref<128x16xf32, #tpu.memory_space<vmem>>)
    %dma_wait3A_109 = arith.constant 3 : i32
    %dma_wait3A_110 = arith.constant 384 : i32
    %dma_wait3A_111 = arith.constant 0 : i32
    %dma_wait3A_112 = tpu.memref_slice %arg6[%dma_wait3A_110, %dma_wait3A_111] : memref<1024x16xf32, #tpu.memory_space<vmem>> -> memref<128x16xf32, #tpu.memory_space<vmem>>
    %dma_wait3A_113 = arith.constant 0 : i32
    %dma_wait3A_114 = tpu.memref_slice %arg5[%dma_wait3A_109, %dma_wait3A_113] : memref<8x128xi32, #tpu.memory_space<vmem>> -> memref<1x128xi32, #tpu.memory_space<vmem>>
    %dma_wait3A_115 = tpu.memref_squeeze %dma_wait3A_114 : memref<1x128xi32, #tpu.memory_space<vmem>> -> memref<128xi32, #tpu.memory_space<vmem>>
    %dma_wait3A_116 = arith.constant 0 : i32
    %dma_wait3A_117 = arith.constant 0 : i32
    %dma_wait3A_118 = tpu.memref_slice %arg2[%dma_wait3A_116, %dma_wait3A_117] : memref<32768x16xf32, #tpu.memory_space<hbm>> -> memref<32768x16xf32, #tpu.memory_space<hbm>>
    tpu.wait_indirect_dma semaphore(%arg7 : memref<!tpu.dma_semaphore, #tpu.memory_space<semaphore_mem>>) src(%dma_wait3A_118 : memref<32768x16xf32, #tpu.memory_space<hbm>>) dst(%dma_wait3A_112 : memref<128x16xf32, #tpu.memory_space<vmem>>)
    %dma_wait3A_119 = arith.constant 4 : i32
    %dma_wait3A_120 = arith.constant 512 : i32
    %dma_wait3A_121 = arith.constant 0 : i32
    %dma_wait3A_122 = tpu.memref_slice %arg6[%dma_wait3A_120, %dma_wait3A_121] : memref<1024x16xf32, #tpu.memory_space<vmem>> -> memref<128x16xf32, #tpu.memory_space<vmem>>
    %dma_wait3A_123 = arith.constant 0 : i32
    %dma_wait3A_124 = tpu.memref_slice %arg5[%dma_wait3A_119, %dma_wait3A_123] : memref<8x128xi32, #tpu.memory_space<vmem>> -> memref<1x128xi32, #tpu.memory_space<vmem>>
    %dma_wait3A_125 = tpu.memref_squeeze %dma_wait3A_124 : memref<1x128xi32, #tpu.memory_space<vmem>> -> memref<128xi32, #tpu.memory_space<vmem>>
    %dma_wait3A_126 = arith.constant 0 : i32
    %dma_wait3A_127 = arith.constant 0 : i32
    %dma_wait3A_128 = tpu.memref_slice %arg2[%dma_wait3A_126, %dma_wait3A_127] : memref<32768x16xf32, #tpu.memory_space<hbm>> -> memref<32768x16xf32, #tpu.memory_space<hbm>>
    tpu.wait_indirect_dma semaphore(%arg7 : memref<!tpu.dma_semaphore, #tpu.memory_space<semaphore_mem>>) src(%dma_wait3A_128 : memref<32768x16xf32, #tpu.memory_space<hbm>>) dst(%dma_wait3A_122 : memref<128x16xf32, #tpu.memory_space<vmem>>)
    %dma_wait3A_129 = arith.constant 5 : i32
    %dma_wait3A_130 = arith.constant 640 : i32
    %dma_wait3A_131 = arith.constant 0 : i32
    %dma_wait3A_132 = tpu.memref_slice %arg6[%dma_wait3A_130, %dma_wait3A_131] : memref<1024x16xf32, #tpu.memory_space<vmem>> -> memref<128x16xf32, #tpu.memory_space<vmem>>
    %dma_wait3A_133 = arith.constant 0 : i32
    %dma_wait3A_134 = tpu.memref_slice %arg5[%dma_wait3A_129, %dma_wait3A_133] : memref<8x128xi32, #tpu.memory_space<vmem>> -> memref<1x128xi32, #tpu.memory_space<vmem>>
    %dma_wait3A_135 = tpu.memref_squeeze %dma_wait3A_134 : memref<1x128xi32, #tpu.memory_space<vmem>> -> memref<128xi32, #tpu.memory_space<vmem>>
    %dma_wait3A_136 = arith.constant 0 : i32
    %dma_wait3A_137 = arith.constant 0 : i32
    %dma_wait3A_138 = tpu.memref_slice %arg2[%dma_wait3A_136, %dma_wait3A_137] : memref<32768x16xf32, #tpu.memory_space<hbm>> -> memref<32768x16xf32, #tpu.memory_space<hbm>>
    tpu.wait_indirect_dma semaphore(%arg7 : memref<!tpu.dma_semaphore, #tpu.memory_space<semaphore_mem>>) src(%dma_wait3A_138 : memref<32768x16xf32, #tpu.memory_space<hbm>>) dst(%dma_wait3A_132 : memref<128x16xf32, #tpu.memory_space<vmem>>)
    %dma_wait3A_139 = arith.constant 6 : i32
    %dma_wait3A_140 = arith.constant 768 : i32
    %dma_wait3A_141 = arith.constant 0 : i32
    %dma_wait3A_142 = tpu.memref_slice %arg6[%dma_wait3A_140, %dma_wait3A_141] : memref<1024x16xf32, #tpu.memory_space<vmem>> -> memref<128x16xf32, #tpu.memory_space<vmem>>
    %dma_wait3A_143 = arith.constant 0 : i32
    %dma_wait3A_144 = tpu.memref_slice %arg5[%dma_wait3A_139, %dma_wait3A_143] : memref<8x128xi32, #tpu.memory_space<vmem>> -> memref<1x128xi32, #tpu.memory_space<vmem>>
    %dma_wait3A_145 = tpu.memref_squeeze %dma_wait3A_144 : memref<1x128xi32, #tpu.memory_space<vmem>> -> memref<128xi32, #tpu.memory_space<vmem>>
    %dma_wait3A_146 = arith.constant 0 : i32
    %dma_wait3A_147 = arith.constant 0 : i32
    %dma_wait3A_148 = tpu.memref_slice %arg2[%dma_wait3A_146, %dma_wait3A_147] : memref<32768x16xf32, #tpu.memory_space<hbm>> -> memref<32768x16xf32, #tpu.memory_space<hbm>>
    tpu.wait_indirect_dma semaphore(%arg7 : memref<!tpu.dma_semaphore, #tpu.memory_space<semaphore_mem>>) src(%dma_wait3A_148 : memref<32768x16xf32, #tpu.memory_space<hbm>>) dst(%dma_wait3A_142 : memref<128x16xf32, #tpu.memory_space<vmem>>)
    %dma_wait3A_149 = arith.constant 7 : i32
    %dma_wait3A_150 = arith.constant 896 : i32
    %dma_wait3A_151 = arith.constant 0 : i32
    %dma_wait3A_152 = tpu.memref_slice %arg6[%dma_wait3A_150, %dma_wait3A_151] : memref<1024x16xf32, #tpu.memory_space<vmem>> -> memref<128x16xf32, #tpu.memory_space<vmem>>
    %dma_wait3A_153 = arith.constant 0 : i32
    %dma_wait3A_154 = tpu.memref_slice %arg5[%dma_wait3A_149, %dma_wait3A_153] : memref<8x128xi32, #tpu.memory_space<vmem>> -> memref<1x128xi32, #tpu.memory_space<vmem>>
    %dma_wait3A_155 = tpu.memref_squeeze %dma_wait3A_154 : memref<1x128xi32, #tpu.memory_space<vmem>> -> memref<128xi32, #tpu.memory_space<vmem>>
    %dma_wait3A_156 = arith.constant 0 : i32
    %dma_wait3A_157 = arith.constant 0 : i32
    %dma_wait3A_158 = tpu.memref_slice %arg2[%dma_wait3A_156, %dma_wait3A_157] : memref<32768x16xf32, #tpu.memory_space<hbm>> -> memref<32768x16xf32, #tpu.memory_space<hbm>>
    tpu.wait_indirect_dma semaphore(%arg7 : memref<!tpu.dma_semaphore, #tpu.memory_space<semaphore_mem>>) src(%dma_wait3A_158 : memref<32768x16xf32, #tpu.memory_space<hbm>>) dst(%dma_wait3A_152 : memref<128x16xf32, #tpu.memory_space<vmem>>)
    %mul3A_159 = arith.constant 1024 : i32
    %mul3A_160 = arith.muli %add3A, %mul3A_159 : i32
    "tpu.region"() ({
      %run_scoped3A = tpu.sem_alloc : memref<!tpu.dma_semaphore, #tpu.memory_space<semaphore_mem>>
      %dma_start3A_161 = arith.constant 0 : i32
      %dma_start3A_162 = tpu.memref_slice %arg4[%mul3A_160, %dma_start3A_161] : memref<32768x16xf32, #tpu.memory_space<hbm>> -> memref<1024x16xf32, #tpu.memory_space<hbm>>
      %dma_start3A_163 = arith.constant 0 : i32
      %dma_start3A_164 = tpu.memref_slice %arg4[%mul3A_160, %dma_start3A_163] : memref<32768x16xf32, #tpu.memory_space<hbm>> -> memref<1024x16xf32, #tpu.memory_space<hbm>>
      tpu.enqueue_dma source(%arg6 : memref<1024x16xf32, #tpu.memory_space<vmem>>) target(%dma_start3A_164 : memref<1024x16xf32, #tpu.memory_space<hbm>>) target_semaphore(%run_scoped3A : memref<!tpu.dma_semaphore, #tpu.memory_space<semaphore_mem>>)
      %dma_wait3A_165 = arith.constant 0 : i32
      %dma_wait3A_166 = tpu.memref_slice %arg4[%mul3A_160, %dma_wait3A_165] : memref<32768x16xf32, #tpu.memory_space<hbm>> -> memref<1024x16xf32, #tpu.memory_space<hbm>>
      %dma_wait3A_167 = arith.constant 0 : i32
      %dma_wait3A_168 = tpu.memref_slice %arg4[%mul3A_160, %dma_wait3A_167] : memref<32768x16xf32, #tpu.memory_space<hbm>> -> memref<1024x16xf32, #tpu.memory_space<hbm>>
      tpu.wait_dma2 semaphore(%run_scoped3A : memref<!tpu.dma_semaphore, #tpu.memory_space<semaphore_mem>>) src(%arg6 : memref<1024x16xf32, #tpu.memory_space<vmem>>) dst(%dma_wait3A_168 : memref<1024x16xf32, #tpu.memory_space<hbm>>)
      tpu.yield
    }) : () -> ()
    return
  }
}

module attributes {stable_mosaic.version = 14 : i64} {
  func.func @_fps_body(%arg0: memref<4x64x128xf32, #tpu.memory_space<vmem>>, %arg1: memref<4x64x128xf32, #tpu.memory_space<vmem>>, %arg2: memref<4x64x128xf32, #tpu.memory_space<vmem>>, %arg3: memref<4x256x8xf32, #tpu.memory_space<vmem>>) attributes {dimension_semantics = [], scalar_prefetch = 0 : i64, scratch_operands = 0 : i64, tpu.core_type = #tpu.core_type<tc>} {
    %get3A = arith.constant 0 : index
    %get3A_0 = arith.constant 0 : index
    %get3A_1 = arith.constant 0 : index
    %get3A_2 = vector.load %arg0[%get3A, %get3A_0, %get3A_1] : memref<4x64x128xf32, #tpu.memory_space<vmem>>, vector<4x64x128xf32>
    %get3A_3 = arith.constant 0 : index
    %get3A_4 = arith.constant 0 : index
    %get3A_5 = arith.constant 0 : index
    %get3A_6 = vector.load %arg1[%get3A_3, %get3A_4, %get3A_5] : memref<4x64x128xf32, #tpu.memory_space<vmem>>, vector<4x64x128xf32>
    %get3A_7 = arith.constant 0 : index
    %get3A_8 = arith.constant 0 : index
    %get3A_9 = arith.constant 0 : index
    %get3A_10 = vector.load %arg2[%get3A_7, %get3A_8, %get3A_9] : memref<4x64x128xf32, #tpu.memory_space<vmem>>, vector<4x64x128xf32>
    %iota3A = tpu.iota {dimensions = array<i32: 1>} : vector<4x256x8xi32>
    %iota3A_11 = tpu.iota {dimensions = array<i32: 2>} : vector<4x256x8xi32>
    %iota3A_12 = tpu.iota {dimensions = array<i32: 1>} : vector<4x64x128xi32>
    %mul3A = arith.constant 128 : i32
    %mul3A_13 = vector.broadcast %mul3A : i32 to vector<4x64x128xi32>
    %mul3A_14 = arith.muli %iota3A_12, %mul3A_13 : vector<4x64x128xi32>
    %iota3A_15 = tpu.iota {dimensions = array<i32: 2>} : vector<4x64x128xi32>
    %add3A = arith.addi %mul3A_14, %iota3A_15 : vector<4x64x128xi32>
    %slice3A = vector.extract_strided_slice %get3A_2 {offsets = [0, 0, 0], sizes = [4, 1, 1], strides = [1, 1, 1]} : vector<4x64x128xf32> to vector<4x1x1xf32>
    %slice3A_16 = vector.extract_strided_slice %get3A_6 {offsets = [0, 0, 0], sizes = [4, 1, 1], strides = [1, 1, 1]} : vector<4x64x128xf32> to vector<4x1x1xf32>
    %slice3A_17 = vector.extract_strided_slice %get3A_10 {offsets = [0, 0, 0], sizes = [4, 1, 1], strides = [1, 1, 1]} : vector<4x64x128xf32> to vector<4x1x1xf32>
    %sub3A = vector.broadcast %slice3A : vector<4x1x1xf32> to vector<4x64x128xf32>
    %sub3A_18 = arith.subf %get3A_2, %sub3A : vector<4x64x128xf32>
    %integer_pow3A = arith.mulf %sub3A_18, %sub3A_18 : vector<4x64x128xf32>
    %sub3A_19 = vector.broadcast %slice3A_16 : vector<4x1x1xf32> to vector<4x64x128xf32>
    %sub3A_20 = arith.subf %get3A_6, %sub3A_19 : vector<4x64x128xf32>
    %integer_pow3A_21 = arith.mulf %sub3A_20, %sub3A_20 : vector<4x64x128xf32>
    %add3A_22 = arith.addf %integer_pow3A, %integer_pow3A_21 : vector<4x64x128xf32>
    %sub3A_23 = vector.broadcast %slice3A_17 : vector<4x1x1xf32> to vector<4x64x128xf32>
    %sub3A_24 = arith.subf %get3A_10, %sub3A_23 : vector<4x64x128xf32>
    %integer_pow3A_25 = arith.mulf %sub3A_24, %sub3A_24 : vector<4x64x128xf32>
    %add3A_26 = arith.addf %add3A_22, %integer_pow3A_25 : vector<4x64x128xf32>
    %eq3A = arith.constant 0 : i32
    %eq3A_27 = vector.broadcast %eq3A : i32 to vector<4x256x8xi32>
    %eq3A_28 = arith.cmpi eq, %iota3A, %eq3A_27 : vector<4x256x8xi32>
    %eq3A_29 = arith.constant 0 : i32
    %eq3A_30 = vector.broadcast %eq3A_29 : i32 to vector<4x256x8xi32>
    %eq3A_31 = arith.cmpi eq, %iota3A_11, %eq3A_30 : vector<4x256x8xi32>
    %eq3A_32 = arith.constant 1 : i32
    %eq3A_33 = vector.broadcast %eq3A_32 : i32 to vector<4x256x8xi32>
    %eq3A_34 = arith.cmpi eq, %iota3A_11, %eq3A_33 : vector<4x256x8xi32>
    %eq3A_35 = arith.constant 2 : i32
    %eq3A_36 = vector.broadcast %eq3A_35 : i32 to vector<4x256x8xi32>
    %eq3A_37 = arith.cmpi eq, %iota3A_11, %eq3A_36 : vector<4x256x8xi32>
    %jit3A = arith.constant 0.000000e+00 : f32
    %broadcast_in_dim3A = vector.shape_cast %slice3A_17 : vector<4x1x1xf32> to vector<4x1x1xf32>
    %broadcast_in_dim3A_38 = vector.broadcast %broadcast_in_dim3A : vector<4x1x1xf32> to vector<4x256x8xf32>
    %broadcast_in_dim3A_39 = vector.broadcast %jit3A : f32 to vector<4x256x8xf32>
    %select_n3A = arith.select %eq3A_37, %broadcast_in_dim3A_38, %broadcast_in_dim3A_39 : vector<4x256x8xi1>, vector<4x256x8xf32>
    %broadcast_in_dim3A_40 = vector.shape_cast %slice3A_16 : vector<4x1x1xf32> to vector<4x1x1xf32>
    %broadcast_in_dim3A_41 = vector.broadcast %broadcast_in_dim3A_40 : vector<4x1x1xf32> to vector<4x256x8xf32>
    %select_n3A_42 = arith.select %eq3A_34, %broadcast_in_dim3A_41, %select_n3A : vector<4x256x8xi1>, vector<4x256x8xf32>
    %broadcast_in_dim3A_43 = vector.shape_cast %slice3A : vector<4x1x1xf32> to vector<4x1x1xf32>
    %broadcast_in_dim3A_44 = vector.broadcast %broadcast_in_dim3A_43 : vector<4x1x1xf32> to vector<4x256x8xf32>
    %select_n3A_45 = arith.select %eq3A_31, %broadcast_in_dim3A_44, %select_n3A_42 : vector<4x256x8xi1>, vector<4x256x8xf32>
    %broadcast_in_dim3A_46 = arith.constant 0.000000e+00 : f32
    %broadcast_in_dim3A_47 = vector.broadcast %broadcast_in_dim3A_46 : f32 to vector<4x256x8xf32>
    %select_n3A_48 = arith.select %eq3A_28, %select_n3A_45, %broadcast_in_dim3A_47 : vector<4x256x8xi1>, vector<4x256x8xf32>
    %scan3A = arith.constant 1 : i32
    %scan3A_49 = arith.constant 255 : i32
    %scan3A_50 = arith.addi %scan3A, %scan3A_49 : i32
    %scan3A_51 = arith.constant 1 : i32
    %scan3A_52:2 = scf.for %scan3A_57 = %scan3A to %scan3A_50 step %scan3A_51 iter_args(%scan3A_58 = %add3A_26, %scan3A_59 = %select_n3A_48) -> (vector<4x64x128xf32>, vector<4x256x8xf32>)  : i32 {
      %reduce_max3A = arith.constant dense<0xFF800000> : vector<4x64xf32>
      %reduce_max3A_60 = vector.multi_reduction <maximumf>, %scan3A_58, %reduce_max3A [2] : vector<4x64x128xf32> to vector<4x64xf32>
      %broadcast_in_dim3A_61 = vector.shape_cast %reduce_max3A_60 : vector<4x64xf32> to vector<4x64x1xf32>
      %reduce_max3A_62 = arith.constant dense<0xFF800000> : vector<4x1xf32>
      %reduce_max3A_63 = vector.multi_reduction <maximumf>, %broadcast_in_dim3A_61, %reduce_max3A_62 [1] : vector<4x64x1xf32> to vector<4x1xf32>
      %broadcast_in_dim3A_64 = vector.shape_cast %reduce_max3A_63 : vector<4x1xf32> to vector<4x1x1xf32>
      %eq3A_65 = vector.broadcast %broadcast_in_dim3A_64 : vector<4x1x1xf32> to vector<4x64x128xf32>
      %eq3A_66 = arith.cmpf oeq, %scan3A_58, %eq3A_65 : vector<4x64x128xf32>
      %jit3A_67 = arith.constant 8192 : i32
      %broadcast_in_dim3A_68 = vector.broadcast %jit3A_67 : i32 to vector<4x64x128xi32>
      %select_n3A_69 = arith.select %eq3A_66, %add3A, %broadcast_in_dim3A_68 : vector<4x64x128xi1>, vector<4x64x128xi32>
      %reduce_min3A = arith.constant dense<2147483647> : vector<4x64xi32>
      %reduce_min3A_70 = vector.multi_reduction <minsi>, %select_n3A_69, %reduce_min3A [2] : vector<4x64x128xi32> to vector<4x64xi32>
      %broadcast_in_dim3A_71 = vector.shape_cast %reduce_min3A_70 : vector<4x64xi32> to vector<4x64x1xi32>
      %reduce_min3A_72 = arith.constant dense<2147483647> : vector<4x1xi32>
      %reduce_min3A_73 = vector.multi_reduction <minsi>, %broadcast_in_dim3A_71, %reduce_min3A_72 [1] : vector<4x64x1xi32> to vector<4x1xi32>
      %broadcast_in_dim3A_74 = vector.shape_cast %reduce_min3A_73 : vector<4x1xi32> to vector<4x1x1xi32>
      %eq3A_75 = vector.broadcast %broadcast_in_dim3A_74 : vector<4x1x1xi32> to vector<4x64x128xi32>
      %eq3A_76 = arith.cmpi eq, %add3A, %eq3A_75 : vector<4x64x128xi32>
      %jit3A_77 = arith.constant 0.000000e+00 : f32
      %broadcast_in_dim3A_78 = vector.broadcast %jit3A_77 : f32 to vector<4x64x128xf32>
      %select_n3A_79 = arith.select %eq3A_76, %get3A_2, %broadcast_in_dim3A_78 : vector<4x64x128xi1>, vector<4x64x128xf32>
      %reduce_sum3A = arith.constant dense<0.000000e+00> : vector<4x64xf32>
      %reduce_sum3A_80 = vector.multi_reduction <add>, %select_n3A_79, %reduce_sum3A [2] : vector<4x64x128xf32> to vector<4x64xf32>
      %broadcast_in_dim3A_81 = vector.shape_cast %reduce_sum3A_80 : vector<4x64xf32> to vector<4x64x1xf32>
      %reduce_sum3A_82 = arith.constant dense<0.000000e+00> : vector<4x1xf32>
      %reduce_sum3A_83 = vector.multi_reduction <add>, %broadcast_in_dim3A_81, %reduce_sum3A_82 [1] : vector<4x64x1xf32> to vector<4x1xf32>
      %broadcast_in_dim3A_84 = vector.shape_cast %reduce_sum3A_83 : vector<4x1xf32> to vector<4x1x1xf32>
      %jit3A_85 = arith.constant 0.000000e+00 : f32
      %broadcast_in_dim3A_86 = vector.broadcast %jit3A_85 : f32 to vector<4x64x128xf32>
      %select_n3A_87 = arith.select %eq3A_76, %get3A_6, %broadcast_in_dim3A_86 : vector<4x64x128xi1>, vector<4x64x128xf32>
      %reduce_sum3A_88 = arith.constant dense<0.000000e+00> : vector<4x64xf32>
      %reduce_sum3A_89 = vector.multi_reduction <add>, %select_n3A_87, %reduce_sum3A_88 [2] : vector<4x64x128xf32> to vector<4x64xf32>
      %broadcast_in_dim3A_90 = vector.shape_cast %reduce_sum3A_89 : vector<4x64xf32> to vector<4x64x1xf32>
      %reduce_sum3A_91 = arith.constant dense<0.000000e+00> : vector<4x1xf32>
      %reduce_sum3A_92 = vector.multi_reduction <add>, %broadcast_in_dim3A_90, %reduce_sum3A_91 [1] : vector<4x64x1xf32> to vector<4x1xf32>
      %broadcast_in_dim3A_93 = vector.shape_cast %reduce_sum3A_92 : vector<4x1xf32> to vector<4x1x1xf32>
      %jit3A_94 = arith.constant 0.000000e+00 : f32
      %broadcast_in_dim3A_95 = vector.broadcast %jit3A_94 : f32 to vector<4x64x128xf32>
      %select_n3A_96 = arith.select %eq3A_76, %get3A_10, %broadcast_in_dim3A_95 : vector<4x64x128xi1>, vector<4x64x128xf32>
      %reduce_sum3A_97 = arith.constant dense<0.000000e+00> : vector<4x64xf32>
      %reduce_sum3A_98 = vector.multi_reduction <add>, %select_n3A_96, %reduce_sum3A_97 [2] : vector<4x64x128xf32> to vector<4x64xf32>
      %broadcast_in_dim3A_99 = vector.shape_cast %reduce_sum3A_98 : vector<4x64xf32> to vector<4x64x1xf32>
      %reduce_sum3A_100 = arith.constant dense<0.000000e+00> : vector<4x1xf32>
      %reduce_sum3A_101 = vector.multi_reduction <add>, %broadcast_in_dim3A_99, %reduce_sum3A_100 [1] : vector<4x64x1xf32> to vector<4x1xf32>
      %broadcast_in_dim3A_102 = vector.shape_cast %reduce_sum3A_101 : vector<4x1xf32> to vector<4x1x1xf32>
      %eq3A_103 = vector.broadcast %scan3A_57 : i32 to vector<4x256x8xi32>
      %eq3A_104 = arith.cmpi eq, %iota3A, %eq3A_103 : vector<4x256x8xi32>
      %eq3A_105 = arith.constant 0 : i32
      %eq3A_106 = vector.broadcast %eq3A_105 : i32 to vector<4x256x8xi32>
      %eq3A_107 = arith.cmpi eq, %iota3A_11, %eq3A_106 : vector<4x256x8xi32>
      %eq3A_108 = arith.constant 1 : i32
      %eq3A_109 = vector.broadcast %eq3A_108 : i32 to vector<4x256x8xi32>
      %eq3A_110 = arith.cmpi eq, %iota3A_11, %eq3A_109 : vector<4x256x8xi32>
      %eq3A_111 = arith.constant 2 : i32
      %eq3A_112 = vector.broadcast %eq3A_111 : i32 to vector<4x256x8xi32>
      %eq3A_113 = arith.cmpi eq, %iota3A_11, %eq3A_112 : vector<4x256x8xi32>
      %jit3A_114 = arith.constant 0.000000e+00 : f32
      %broadcast_in_dim3A_115 = vector.shape_cast %broadcast_in_dim3A_102 : vector<4x1x1xf32> to vector<4x1x1xf32>
      %broadcast_in_dim3A_116 = vector.broadcast %broadcast_in_dim3A_115 : vector<4x1x1xf32> to vector<4x256x8xf32>
      %broadcast_in_dim3A_117 = vector.broadcast %jit3A_114 : f32 to vector<4x256x8xf32>
      %select_n3A_118 = arith.select %eq3A_113, %broadcast_in_dim3A_116, %broadcast_in_dim3A_117 : vector<4x256x8xi1>, vector<4x256x8xf32>
      %broadcast_in_dim3A_119 = vector.shape_cast %broadcast_in_dim3A_93 : vector<4x1x1xf32> to vector<4x1x1xf32>
      %broadcast_in_dim3A_120 = vector.broadcast %broadcast_in_dim3A_119 : vector<4x1x1xf32> to vector<4x256x8xf32>
      %select_n3A_121 = arith.select %eq3A_110, %broadcast_in_dim3A_120, %select_n3A_118 : vector<4x256x8xi1>, vector<4x256x8xf32>
      %broadcast_in_dim3A_122 = vector.shape_cast %broadcast_in_dim3A_84 : vector<4x1x1xf32> to vector<4x1x1xf32>
      %broadcast_in_dim3A_123 = vector.broadcast %broadcast_in_dim3A_122 : vector<4x1x1xf32> to vector<4x256x8xf32>
      %select_n3A_124 = arith.select %eq3A_107, %broadcast_in_dim3A_123, %select_n3A_121 : vector<4x256x8xi1>, vector<4x256x8xf32>
      %select_n3A_125 = arith.select %eq3A_104, %select_n3A_124, %scan3A_59 : vector<4x256x8xi1>, vector<4x256x8xf32>
      %sub3A_126 = vector.broadcast %broadcast_in_dim3A_84 : vector<4x1x1xf32> to vector<4x64x128xf32>
      %sub3A_127 = arith.subf %get3A_2, %sub3A_126 : vector<4x64x128xf32>
      %integer_pow3A_128 = arith.mulf %sub3A_127, %sub3A_127 : vector<4x64x128xf32>
      %sub3A_129 = vector.broadcast %broadcast_in_dim3A_93 : vector<4x1x1xf32> to vector<4x64x128xf32>
      %sub3A_130 = arith.subf %get3A_6, %sub3A_129 : vector<4x64x128xf32>
      %integer_pow3A_131 = arith.mulf %sub3A_130, %sub3A_130 : vector<4x64x128xf32>
      %add3A_132 = arith.addf %integer_pow3A_128, %integer_pow3A_131 : vector<4x64x128xf32>
      %sub3A_133 = vector.broadcast %broadcast_in_dim3A_102 : vector<4x1x1xf32> to vector<4x64x128xf32>
      %sub3A_134 = arith.subf %get3A_10, %sub3A_133 : vector<4x64x128xf32>
      %integer_pow3A_135 = arith.mulf %sub3A_134, %sub3A_134 : vector<4x64x128xf32>
      %add3A_136 = arith.addf %add3A_132, %integer_pow3A_135 : vector<4x64x128xf32>
      %min3A = arith.minimumf %scan3A_58, %add3A_136 : vector<4x64x128xf32>
      scf.yield %min3A, %select_n3A_125 : vector<4x64x128xf32>, vector<4x256x8xf32>
    }
    %scan3A_53 = arith.constant 255 : i32
    %swap3A = arith.constant 0 : index
    %swap3A_54 = arith.constant 0 : index
    %swap3A_55 = arith.constant 0 : index
    %swap3A_56 = vector.load %arg3[%swap3A, %swap3A_54, %swap3A_55] : memref<4x256x8xf32, #tpu.memory_space<vmem>>, vector<4x256x8xf32>
    tpu.vector_store %arg3[%swap3A, %swap3A_54, %swap3A_55], %scan3A_52#1 {strides = array<i32>} : memref<4x256x8xf32, #tpu.memory_space<vmem>>, vector<4x256x8xf32>,
    return
  }
}

module attributes {stable_mosaic.version = 14 : i64} {
  func.func @_knn_body(%arg0: i32, %arg1: memref<1x8x8192xf32, #tpu.memory_space<vmem>>, %arg2: memref<1x256x8xf32, #tpu.memory_space<vmem>>, %arg3: memref<1x256x128xi32, #tpu.memory_space<vmem>>) attributes {dimension_semantics = [#tpu.dimension_semantics<arbitrary>], iteration_bounds = array<i64: 4>, scalar_prefetch = 0 : i64, scratch_operands = 0 : i64, tpu.core_type = #tpu.core_type<tc>, window_params = [{transform_indices = @transform_0, window_bounds = array<i64: 1, 8, 8192>}, {transform_indices = @transform_1, window_bounds = array<i64: 1, 256, 8>}, {transform_indices = @transform_2, window_bounds = array<i64: 1, 256, 128>}]} {
    %get3A = arith.constant 0 : index
    %get3A_0 = arith.constant 0 : index
    %get3A_1 = arith.constant 0 : index
    %get3A_2 = vector.load %arg2[%get3A, %get3A_0, %get3A_1] : memref<1x256x8xf32, #tpu.memory_space<vmem>>, vector<1x256x8xf32>
    %get3A_3 = vector.shape_cast %get3A_2 : vector<1x256x8xf32> to vector<256x8xf32>
    %get3A_4 = arith.constant 0 : index
    %get3A_5 = arith.constant 0 : index
    %get3A_6 = arith.constant 0 : index
    %get3A_7 = vector.load %arg1[%get3A_4, %get3A_5, %get3A_6] : memref<1x8x8192xf32, #tpu.memory_space<vmem>>, vector<1x8x8192xf32>
    %get3A_8 = vector.shape_cast %get3A_7 : vector<1x8x8192xf32> to vector<8x8192xf32>
    %mul3A = arith.mulf %get3A_8, %get3A_8 : vector<8x8192xf32>
    %reduce_sum3A = arith.constant dense<0.000000e+00> : vector<8192xf32>
    %reduce_sum3A_9 = vector.multi_reduction <add>, %mul3A, %reduce_sum3A [0] : vector<8x8192xf32> to vector<8192xf32>
    %broadcast_in_dim3A = vector.shape_cast %reduce_sum3A_9 : vector<8192xf32> to vector<1x8192xf32>
    %mul3A_10 = arith.mulf %get3A_3, %get3A_3 : vector<256x8xf32>
    %reduce_sum3A_11 = arith.constant dense<0.000000e+00> : vector<256xf32>
    %reduce_sum3A_12 = vector.multi_reduction <add>, %mul3A_10, %reduce_sum3A_11 [1] : vector<256x8xf32> to vector<256xf32>
    %broadcast_in_dim3A_13 = vector.shape_cast %reduce_sum3A_12 : vector<256xf32> to vector<256x1xf32>
    %dot_general3A = arith.constant dense<0.000000e+00> : vector<256x8192xf32>
    %dot_general3A_14 = tpu.matmul %get3A_3, %get3A_8, %dot_general3A {dimension_numbers = #tpu.dot_dimension_numbers<[1], [0], [0], [1], [0, 0, 1, 1], [], []>, transpose_lhs_hint = false} : vector<256x8xf32>, vector<8x8192xf32>, vector<256x8192xf32> -> vector<256x8192xf32>
    %add3A = vector.broadcast %broadcast_in_dim3A : vector<1x8192xf32> to vector<256x8192xf32>
    %add3A_15 = vector.broadcast %broadcast_in_dim3A_13 : vector<256x1xf32> to vector<256x8192xf32>
    %add3A_16 = arith.addf %add3A, %add3A_15 : vector<256x8192xf32>
    %mul3A_17 = arith.constant 2.000000e+00 : f32
    %mul3A_18 = vector.broadcast %mul3A_17 : f32 to vector<256x8192xf32>
    %mul3A_19 = arith.mulf %mul3A_18, %dot_general3A_14 : vector<256x8192xf32>
    %sub3A = arith.subf %add3A_16, %mul3A_19 : vector<256x8192xf32>
    %iota3A = tpu.iota {dimensions = array<i32: 1>} : vector<256x8192xi32>
    %iota3A_20 = tpu.iota {dimensions = array<i32: 1>} : vector<256x128xi32>
    %mul3A_21 = arith.constant 8192 : i32
    %mul3A_22 = arith.muli %arg0, %mul3A_21 : i32
    %broadcast_in_dim3A_23 = arith.constant -1.000000e+30 : f32
    %broadcast_in_dim3A_24 = vector.broadcast %broadcast_in_dim3A_23 : f32 to vector<256x1xf32>
    %broadcast_in_dim3A_25 = arith.constant 0 : i32
    %broadcast_in_dim3A_26 = vector.broadcast %broadcast_in_dim3A_25 : i32 to vector<256x128xi32>
    %scan3A = arith.constant 0 : i32
    %scan3A_27 = arith.constant 32 : i32
    %scan3A_28 = arith.addi %scan3A, %scan3A_27 : i32
    %scan3A_29 = arith.constant 1 : i32
    %scan3A_30:2 = scf.for %scan3A_37 = %scan3A to %scan3A_28 step %scan3A_29 iter_args(%scan3A_38 = %broadcast_in_dim3A_24, %scan3A_39 = %broadcast_in_dim3A_26) -> (vector<256x1xf32>, vector<256x128xi32>)  : i32 {
      %gt3A = vector.broadcast %scan3A_38 : vector<256x1xf32> to vector<256x8192xf32>
      %gt3A_40 = arith.cmpf ogt, %sub3A, %gt3A : vector<256x8192xf32>
      %jit3A = arith.constant 1.000000e+30 : f32
      %broadcast_in_dim3A_41 = vector.broadcast %jit3A : f32 to vector<256x8192xf32>
      %select_n3A = arith.select %gt3A_40, %sub3A, %broadcast_in_dim3A_41 : vector<256x8192xi1>, vector<256x8192xf32>
      %reduce_min3A = arith.constant dense<0x7F800000> : vector<256xf32>
      %reduce_min3A_42 = vector.multi_reduction <minimumf>, %select_n3A, %reduce_min3A [1] : vector<256x8192xf32> to vector<256xf32>
      %broadcast_in_dim3A_43 = vector.shape_cast %reduce_min3A_42 : vector<256xf32> to vector<256x1xf32>
      %eq3A = vector.broadcast %broadcast_in_dim3A_43 : vector<256x1xf32> to vector<256x8192xf32>
      %eq3A_44 = arith.cmpf oeq, %sub3A, %eq3A : vector<256x8192xf32>
      %jit3A_45 = arith.constant 8192 : i32
      %broadcast_in_dim3A_46 = vector.broadcast %jit3A_45 : i32 to vector<256x8192xi32>
      %select_n3A_47 = arith.select %eq3A_44, %iota3A, %broadcast_in_dim3A_46 : vector<256x8192xi1>, vector<256x8192xi32>
      %reduce_min3A_48 = arith.constant dense<2147483647> : vector<256xi32>
      %reduce_min3A_49 = vector.multi_reduction <minsi>, %select_n3A_47, %reduce_min3A_48 [1] : vector<256x8192xi32> to vector<256xi32>
      %broadcast_in_dim3A_50 = vector.shape_cast %reduce_min3A_49 : vector<256xi32> to vector<256x1xi32>
      %eq3A_51 = vector.broadcast %scan3A_37 : i32 to vector<256x128xi32>
      %eq3A_52 = arith.cmpi eq, %iota3A_20, %eq3A_51 : vector<256x128xi32>
      %add3A_53 = vector.broadcast %mul3A_22 : i32 to vector<256x1xi32>
      %add3A_54 = arith.addi %broadcast_in_dim3A_50, %add3A_53 : vector<256x1xi32>
      %broadcast_in_dim3A_55 = vector.shape_cast %add3A_54 : vector<256x1xi32> to vector<256x1xi32>
      %broadcast_in_dim3A_56 = vector.broadcast %broadcast_in_dim3A_55 : vector<256x1xi32> to vector<256x128xi32>
      %select_n3A_57 = arith.select %eq3A_52, %broadcast_in_dim3A_56, %scan3A_39 : vector<256x128xi1>, vector<256x128xi32>
      scf.yield %broadcast_in_dim3A_43, %select_n3A_57 : vector<256x1xf32>, vector<256x128xi32>
    }
    %scan3A_31 = arith.constant 32 : i32
    %swap3A = arith.constant 0 : index
    %swap3A_32 = arith.constant 0 : index
    %swap3A_33 = arith.constant 0 : index
    %swap3A_34 = vector.load %arg3[%swap3A, %swap3A_32, %swap3A_33] : memref<1x256x128xi32, #tpu.memory_space<vmem>>, vector<1x256x128xi32>
    %swap3A_35 = vector.shape_cast %swap3A_34 : vector<1x256x128xi32> to vector<256x128xi32>
    %swap3A_36 = vector.shape_cast %scan3A_30#1 : vector<256x128xi32> to vector<1x256x128xi32>
    tpu.vector_store %arg3[%swap3A, %swap3A_32, %swap3A_33], %swap3A_36 {strides = array<i32>} : memref<1x256x128xi32, #tpu.memory_space<vmem>>, vector<1x256x128xi32>,
    return
  }
  func.func @transform_0(%arg0: i32) -> (i32, i32, i32) {
    %c0_i32 = arith.constant 0 : i32
    %c0_i32_0 = arith.constant 0 : i32
    %c0_i32_1 = arith.constant 0 : i32
    return %arg0, %c0_i32, %c0_i32_0 : i32, i32, i32
  }
  func.func @transform_1(%arg0: i32) -> (i32, i32, i32) {
    %c0_i32 = arith.constant 0 : i32
    %c0_i32_0 = arith.constant 0 : i32
    %c0_i32_1 = arith.constant 0 : i32
    return %arg0, %c0_i32, %c0_i32_0 : i32, i32, i32
  }
  func.func @transform_2(%arg0: i32) -> (i32, i32, i32) {
    %c0_i32 = arith.constant 0 : i32
    %c0_i32_0 = arith.constant 0 : i32
    %c0_i32_1 = arith.constant 0 : i32
    return %arg0, %c0_i32, %c0_i32_0 : i32, i32, i32
  }
}

module attributes {stable_mosaic.version = 14 : i64} {
  func.func @_enc_body(%arg0: i32, %arg1: memref<4096x16xf32, #tpu.memory_space<vmem>>, %arg2: memref<128x16xf32, #tpu.memory_space<vmem>>, %arg3: memref<16x128xf32, #tpu.memory_space<vmem>>, %arg4: memref<128xf32, #tpu.memory_space<vmem>>, %arg5: memref<128xf32, #tpu.memory_space<vmem>>, %arg6: memref<128xf32, #tpu.memory_space<vmem>>, %arg7: memref<128x256xf32, #tpu.memory_space<vmem>>, %arg8: memref<256xf32, #tpu.memory_space<vmem>>, %arg9: memref<512x512xf32, #tpu.memory_space<vmem>>, %arg10: memref<512xf32, #tpu.memory_space<vmem>>, %arg11: memref<512xf32, #tpu.memory_space<vmem>>, %arg12: memref<512xf32, #tpu.memory_space<vmem>>, %arg13: memref<512x512xf32, #tpu.memory_space<vmem>>, %arg14: memref<512xf32, #tpu.memory_space<vmem>>, %arg15: memref<512x768xf32, #tpu.memory_space<vmem>>, %arg16: memref<768xf32, #tpu.memory_space<vmem>>, %arg17: memref<16x128xf32, #tpu.memory_space<vmem>>, %arg18: memref<128xf32, #tpu.memory_space<vmem>>, %arg19: memref<128x768xf32, #tpu.memory_space<vmem>>, %arg20: memref<768xf32, #tpu.memory_space<vmem>>, %arg21: memref<128x768xf32, #tpu.memory_space<vmem>>) attributes {dimension_semantics = [#tpu.dimension_semantics<arbitrary>], iteration_bounds = array<i64: 8>, scalar_prefetch = 0 : i64, scratch_operands = 0 : i64, tpu.core_type = #tpu.core_type<tc>, window_params = [{transform_indices = @transform_0, window_bounds = array<i64: 4096, 16>}, {transform_indices = @transform_1, window_bounds = array<i64: 128, 16>}, {pipeline_mode = #tpu.pipeline_mode<synchronous>, transform_indices = @transform_2, window_bounds = array<i64: 16, 128>}, {pipeline_mode = #tpu.pipeline_mode<synchronous>, transform_indices = @transform_3, window_bounds = array<i64: 128>}, {pipeline_mode = #tpu.pipeline_mode<synchronous>, transform_indices = @transform_4, window_bounds = array<i64: 128>}, {pipeline_mode = #tpu.pipeline_mode<synchronous>, transform_indices = @transform_5, window_bounds = array<i64: 128>}, {pipeline_mode = #tpu.pipeline_mode<synchronous>, transform_indices = @transform_6, window_bounds = array<i64: 128, 256>}, {pipeline_mode = #tpu.pipeline_mode<synchronous>, transform_indices = @transform_7, window_bounds = array<i64: 256>}, {pipeline_mode = #tpu.pipeline_mode<synchronous>, transform_indices = @transform_8, window_bounds = array<i64: 512, 512>}, {pipeline_mode = #tpu.pipeline_mode<synchronous>, transform_indices = @transform_9, window_bounds = array<i64: 512>}, {pipeline_mode = #tpu.pipeline_mode<synchronous>, transform_indices = @transform_10, window_bounds = array<i64: 512>}, {pipeline_mode = #tpu.pipeline_mode<synchronous>, transform_indices = @transform_11, window_bounds = array<i64: 512>}, {pipeline_mode = #tpu.pipeline_mode<synchronous>, transform_indices = @transform_12, window_bounds = array<i64: 512, 512>}, {pipeline_mode = #tpu.pipeline_mode<synchronous>, transform_indices = @transform_13, window_bounds = array<i64: 512>}, {pipeline_mode = #tpu.pipeline_mode<synchronous>, transform_indices = @transform_14, window_bounds = array<i64: 512, 768>}, {pipeline_mode = #tpu.pipeline_mode<synchronous>, transform_indices = @transform_15, window_bounds = array<i64: 768>}, {pipeline_mode = #tpu.pipeline_mode<synchronous>, transform_indices = @transform_16, window_bounds = array<i64: 16, 128>}, {pipeline_mode = #tpu.pipeline_mode<synchronous>, transform_indices = @transform_17, window_bounds = array<i64: 128>}, {pipeline_mode = #tpu.pipeline_mode<synchronous>, transform_indices = @transform_18, window_bounds = array<i64: 128, 768>}, {pipeline_mode = #tpu.pipeline_mode<synchronous>, transform_indices = @transform_19, window_bounds = array<i64: 768>}, {transform_indices = @transform_20, window_bounds = array<i64: 128, 768>}]} {
    %get3A = arith.constant 0 : index
    %get3A_0 = arith.constant 0 : index
    %get3A_1 = vector.load %arg1[%get3A, %get3A_0] : memref<4096x16xf32, #tpu.memory_space<vmem>>, vector<4096x16xf32>
    %get3A_2 = arith.constant 0 : index
    %get3A_3 = arith.constant 0 : index
    %get3A_4 = vector.load %arg2[%get3A_2, %get3A_3] : memref<128x16xf32, #tpu.memory_space<vmem>>, vector<128x16xf32>
    %reshape3A = vector.shape_cast %get3A_1 : vector<4096x16xf32> to vector<128x32x16xf32>
    %broadcast_in_dim3A = vector.shape_cast %get3A_4 : vector<128x16xf32> to vector<128x1x16xf32>
    %sub3A = vector.broadcast %broadcast_in_dim3A : vector<128x1x16xf32> to vector<128x32x16xf32>
    %sub3A_5 = arith.subf %reshape3A, %sub3A : vector<128x32x16xf32>
    %reshape3A_6 = vector.shape_cast %sub3A_5 : vector<128x32x16xf32> to vector<4096x16xf32>
    %get3A_7 = arith.constant 0 : index
    %get3A_8 = arith.constant 0 : index
    %get3A_9 = vector.load %arg3[%get3A_7, %get3A_8] : memref<16x128xf32, #tpu.memory_space<vmem>>, vector<16x128xf32>
    %dot_general3A = arith.constant dense<0.000000e+00> : vector<4096x128xf32>
    %dot_general3A_10 = tpu.matmul %reshape3A_6, %get3A_9, %dot_general3A {dimension_numbers = #tpu.dot_dimension_numbers<[1], [0], [0], [1], [0, 0, 1, 1], [], []>, transpose_lhs_hint = false} : vector<4096x16xf32>, vector<16x128xf32>, vector<4096x128xf32> -> vector<4096x128xf32>
    %get3A_11 = arith.constant 0 : index
    %get3A_12 = vector.load %arg4[%get3A_11] : memref<128xf32, #tpu.memory_space<vmem>>, vector<128xf32>
    %broadcast_in_dim3A_13 = vector.shape_cast %get3A_12 : vector<128xf32> to vector<1x128xf32>
    %add3A = vector.broadcast %broadcast_in_dim3A_13 : vector<1x128xf32> to vector<4096x128xf32>
    %add3A_14 = arith.addf %dot_general3A_10, %add3A : vector<4096x128xf32>
    %get3A_15 = arith.constant 0 : index
    %get3A_16 = vector.load %arg5[%get3A_15] : memref<128xf32, #tpu.memory_space<vmem>>, vector<128xf32>
    %broadcast_in_dim3A_17 = vector.shape_cast %get3A_16 : vector<128xf32> to vector<1x128xf32>
    %mul3A = vector.broadcast %broadcast_in_dim3A_17 : vector<1x128xf32> to vector<4096x128xf32>
    %mul3A_18 = arith.mulf %add3A_14, %mul3A : vector<4096x128xf32>
    %get3A_19 = arith.constant 0 : index
    %get3A_20 = vector.load %arg6[%get3A_19] : memref<128xf32, #tpu.memory_space<vmem>>, vector<128xf32>
    %broadcast_in_dim3A_21 = vector.shape_cast %get3A_20 : vector<128xf32> to vector<1x128xf32>
    %add3A_22 = vector.broadcast %broadcast_in_dim3A_21 : vector<1x128xf32> to vector<4096x128xf32>
    %add3A_23 = arith.addf %mul3A_18, %add3A_22 : vector<4096x128xf32>
    %max3A = arith.constant 0.000000e+00 : f32
    %max3A_24 = vector.broadcast %max3A : f32 to vector<4096x128xf32>
    %max3A_25 = arith.maximumf %add3A_23, %max3A_24 : vector<4096x128xf32>
    %get3A_26 = arith.constant 0 : index
    %get3A_27 = arith.constant 0 : index
    %get3A_28 = vector.load %arg7[%get3A_26, %get3A_27] : memref<128x256xf32, #tpu.memory_space<vmem>>, vector<128x256xf32>
    %dot_general3A_29 = arith.constant dense<0.000000e+00> : vector<4096x256xf32>
    %dot_general3A_30 = tpu.matmul %max3A_25, %get3A_28, %dot_general3A_29 {dimension_numbers = #tpu.dot_dimension_numbers<[1], [0], [0], [1], [0, 0, 1, 1], [], []>, transpose_lhs_hint = false} : vector<4096x128xf32>, vector<128x256xf32>, vector<4096x256xf32> -> vector<4096x256xf32>
    %get3A_31 = arith.constant 0 : index
    %get3A_32 = vector.load %arg8[%get3A_31] : memref<256xf32, #tpu.memory_space<vmem>>, vector<256xf32>
    %broadcast_in_dim3A_33 = vector.shape_cast %get3A_32 : vector<256xf32> to vector<1x256xf32>
    %add3A_34 = vector.broadcast %broadcast_in_dim3A_33 : vector<1x256xf32> to vector<4096x256xf32>
    %add3A_35 = arith.addf %dot_general3A_30, %add3A_34 : vector<4096x256xf32>
    %reshape3A_36 = vector.shape_cast %add3A_35 : vector<4096x256xf32> to vector<128x32x256xf32>
    %reduce_max3A = arith.constant dense<0xFF800000> : vector<128x256xf32>
    %reduce_max3A_37 = vector.multi_reduction <maximumf>, %reshape3A_36, %reduce_max3A [1] : vector<128x32x256xf32> to vector<128x256xf32>
    %broadcast_in_dim3A_38 = vector.shape_cast %reduce_max3A_37 : vector<128x256xf32> to vector<128x1x256xf32>
    %broadcast_in_dim3A_39 = vector.shape_cast %broadcast_in_dim3A_38 : vector<128x1x256xf32> to vector<128x1x256xf32>
    %broadcast_in_dim3A_40 = vector.broadcast %broadcast_in_dim3A_39 : vector<128x1x256xf32> to vector<128x32x256xf32>
    %reshape3A_41 = vector.shape_cast %broadcast_in_dim3A_40 : vector<128x32x256xf32> to vector<4096x256xf32>
    %concatenate3A = tpu.concatenate %reshape3A_41, %add3A_35 in 1 : vector<4096x256xf32>, vector<4096x256xf32> -> vector<4096x512xf32>
    %get3A_42 = arith.constant 0 : index
    %get3A_43 = arith.constant 0 : index
    %get3A_44 = vector.load %arg9[%get3A_42, %get3A_43] : memref<512x512xf32, #tpu.memory_space<vmem>>, vector<512x512xf32>
    %dot_general3A_45 = arith.constant dense<0.000000e+00> : vector<4096x512xf32>
    %dot_general3A_46 = tpu.matmul %concatenate3A, %get3A_44, %dot_general3A_45 {dimension_numbers = #tpu.dot_dimension_numbers<[1], [0], [0], [1], [0, 0, 1, 1], [], []>, transpose_lhs_hint = false} : vector<4096x512xf32>, vector<512x512xf32>, vector<4096x512xf32> -> vector<4096x512xf32>
    %get3A_47 = arith.constant 0 : index
    %get3A_48 = vector.load %arg10[%get3A_47] : memref<512xf32, #tpu.memory_space<vmem>>, vector<512xf32>
    %broadcast_in_dim3A_49 = vector.shape_cast %get3A_48 : vector<512xf32> to vector<1x512xf32>
    %add3A_50 = vector.broadcast %broadcast_in_dim3A_49 : vector<1x512xf32> to vector<4096x512xf32>
    %add3A_51 = arith.addf %dot_general3A_46, %add3A_50 : vector<4096x512xf32>
    %get3A_52 = arith.constant 0 : index
    %get3A_53 = vector.load %arg11[%get3A_52] : memref<512xf32, #tpu.memory_space<vmem>>, vector<512xf32>
    %broadcast_in_dim3A_54 = vector.shape_cast %get3A_53 : vector<512xf32> to vector<1x512xf32>
    %mul3A_55 = vector.broadcast %broadcast_in_dim3A_54 : vector<1x512xf32> to vector<4096x512xf32>
    %mul3A_56 = arith.mulf %add3A_51, %mul3A_55 : vector<4096x512xf32>
    %get3A_57 = arith.constant 0 : index
    %get3A_58 = vector.load %arg12[%get3A_57] : memref<512xf32, #tpu.memory_space<vmem>>, vector<512xf32>
    %broadcast_in_dim3A_59 = vector.shape_cast %get3A_58 : vector<512xf32> to vector<1x512xf32>
    %add3A_60 = vector.broadcast %broadcast_in_dim3A_59 : vector<1x512xf32> to vector<4096x512xf32>
    %add3A_61 = arith.addf %mul3A_56, %add3A_60 : vector<4096x512xf32>
    %max3A_62 = arith.constant 0.000000e+00 : f32
    %max3A_63 = vector.broadcast %max3A_62 : f32 to vector<4096x512xf32>
    %max3A_64 = arith.maximumf %add3A_61, %max3A_63 : vector<4096x512xf32>
    %get3A_65 = arith.constant 0 : index
    %get3A_66 = arith.constant 0 : index
    %get3A_67 = vector.load %arg13[%get3A_65, %get3A_66] : memref<512x512xf32, #tpu.memory_space<vmem>>, vector<512x512xf32>
    %dot_general3A_68 = arith.constant dense<0.000000e+00> : vector<4096x512xf32>
    %dot_general3A_69 = tpu.matmul %max3A_64, %get3A_67, %dot_general3A_68 {dimension_numbers = #tpu.dot_dimension_numbers<[1], [0], [0], [1], [0, 0, 1, 1], [], []>, transpose_lhs_hint = false} : vector<4096x512xf32>, vector<512x512xf32>, vector<4096x512xf32> -> vector<4096x512xf32>
    %get3A_70 = arith.constant 0 : index
    %get3A_71 = vector.load %arg14[%get3A_70] : memref<512xf32, #tpu.memory_space<vmem>>, vector<512xf32>
    %broadcast_in_dim3A_72 = vector.shape_cast %get3A_71 : vector<512xf32> to vector<1x512xf32>
    %add3A_73 = vector.broadcast %broadcast_in_dim3A_72 : vector<1x512xf32> to vector<4096x512xf32>
    %add3A_74 = arith.addf %dot_general3A_69, %add3A_73 : vector<4096x512xf32>
    %reshape3A_75 = vector.shape_cast %add3A_74 : vector<4096x512xf32> to vector<128x32x512xf32>
    %reduce_max3A_76 = arith.constant dense<0xFF800000> : vector<128x512xf32>
    %reduce_max3A_77 = vector.multi_reduction <maximumf>, %reshape3A_75, %reduce_max3A_76 [1] : vector<128x32x512xf32> to vector<128x512xf32>
    %get3A_78 = arith.constant 0 : index
    %get3A_79 = arith.constant 0 : index
    %get3A_80 = vector.load %arg15[%get3A_78, %get3A_79] : memref<512x768xf32, #tpu.memory_space<vmem>>, vector<512x768xf32>
    %dot_general3A_81 = arith.constant dense<0.000000e+00> : vector<128x768xf32>
    %dot_general3A_82 = tpu.matmul %reduce_max3A_77, %get3A_80, %dot_general3A_81 {dimension_numbers = #tpu.dot_dimension_numbers<[1], [0], [0], [1], [0, 0, 1, 1], [], []>, transpose_lhs_hint = false} : vector<128x512xf32>, vector<512x768xf32>, vector<128x768xf32> -> vector<128x768xf32>
    %get3A_83 = arith.constant 0 : index
    %get3A_84 = vector.load %arg16[%get3A_83] : memref<768xf32, #tpu.memory_space<vmem>>, vector<768xf32>
    %broadcast_in_dim3A_85 = vector.shape_cast %get3A_84 : vector<768xf32> to vector<1x768xf32>
    %add3A_86 = vector.broadcast %broadcast_in_dim3A_85 : vector<1x768xf32> to vector<128x768xf32>
    %add3A_87 = arith.addf %dot_general3A_82, %add3A_86 : vector<128x768xf32>
    %get3A_88 = arith.constant 0 : index
    %get3A_89 = arith.constant 0 : index
    %get3A_90 = vector.load %arg17[%get3A_88, %get3A_89] : memref<16x128xf32, #tpu.memory_space<vmem>>, vector<16x128xf32>
    %dot_general3A_91 = arith.constant dense<0.000000e+00> : vector<128x128xf32>
    %dot_general3A_92 = tpu.matmul %get3A_4, %get3A_90, %dot_general3A_91 {dimension_numbers = #tpu.dot_dimension_numbers<[1], [0], [0], [1], [0, 0, 1, 1], [], []>, transpose_lhs_hint = false} : vector<128x16xf32>, vector<16x128xf32>, vector<128x128xf32> -> vector<128x128xf32>
    %get3A_93 = arith.constant 0 : index
    %get3A_94 = vector.load %arg18[%get3A_93] : memref<128xf32, #tpu.memory_space<vmem>>, vector<128xf32>
    %broadcast_in_dim3A_95 = vector.shape_cast %get3A_94 : vector<128xf32> to vector<1x128xf32>
    %add3A_96 = vector.broadcast %broadcast_in_dim3A_95 : vector<1x128xf32> to vector<128x128xf32>
    %add3A_97 = arith.addf %dot_general3A_92, %add3A_96 : vector<128x128xf32>
    %integer_pow3A = arith.mulf %add3A_97, %add3A_97 : vector<128x128xf32>
    %integer_pow3A_98 = arith.mulf %add3A_97, %integer_pow3A : vector<128x128xf32>
    %mul3A_99 = arith.constant 4.471500e-02 : f32
    %mul3A_100 = vector.broadcast %mul3A_99 : f32 to vector<128x128xf32>
    %mul3A_101 = arith.mulf %mul3A_100, %integer_pow3A_98 : vector<128x128xf32>
    %add3A_102 = arith.addf %add3A_97, %mul3A_101 : vector<128x128xf32>
    %mul3A_103 = arith.constant 0.797884583 : f32
    %mul3A_104 = vector.broadcast %mul3A_103 : f32 to vector<128x128xf32>
    %mul3A_105 = arith.mulf %mul3A_104, %add3A_102 : vector<128x128xf32>
    %tanh3A = math.tanh %mul3A_105 : vector<128x128xf32>
    %add3A_106 = arith.constant 1.000000e+00 : f32
    %add3A_107 = vector.broadcast %add3A_106 : f32 to vector<128x128xf32>
    %add3A_108 = arith.addf %add3A_107, %tanh3A : vector<128x128xf32>
    %mul3A_109 = arith.constant 5.000000e-01 : f32
    %mul3A_110 = vector.broadcast %mul3A_109 : f32 to vector<128x128xf32>
    %mul3A_111 = arith.mulf %mul3A_110, %add3A_108 : vector<128x128xf32>
    %mul3A_112 = arith.mulf %add3A_97, %mul3A_111 : vector<128x128xf32>
    %get3A_113 = arith.constant 0 : index
    %get3A_114 = arith.constant 0 : index
    %get3A_115 = vector.load %arg19[%get3A_113, %get3A_114] : memref<128x768xf32, #tpu.memory_space<vmem>>, vector<128x768xf32>
    %dot_general3A_116 = arith.constant dense<0.000000e+00> : vector<128x768xf32>
    %dot_general3A_117 = tpu.matmul %mul3A_112, %get3A_115, %dot_general3A_116 {dimension_numbers = #tpu.dot_dimension_numbers<[1], [0], [0], [1], [0, 0, 1, 1], [], []>, transpose_lhs_hint = false} : vector<128x128xf32>, vector<128x768xf32>, vector<128x768xf32> -> vector<128x768xf32>
    %get3A_118 = arith.constant 0 : index
    %get3A_119 = vector.load %arg20[%get3A_118] : memref<768xf32, #tpu.memory_space<vmem>>, vector<768xf32>
    %broadcast_in_dim3A_120 = vector.shape_cast %get3A_119 : vector<768xf32> to vector<1x768xf32>
    %add3A_121 = vector.broadcast %broadcast_in_dim3A_120 : vector<1x768xf32> to vector<128x768xf32>
    %add3A_122 = arith.addf %dot_general3A_117, %add3A_121 : vector<128x768xf32>
    %add3A_123 = arith.addf %add3A_87, %add3A_122 : vector<128x768xf32>
    %swap3A = arith.constant 0 : index
    %swap3A_124 = arith.constant 0 : index
    %swap3A_125 = vector.load %arg21[%swap3A, %swap3A_124] : memref<128x768xf32, #tpu.memory_space<vmem>>, vector<128x768xf32>
    tpu.vector_store %arg21[%swap3A, %swap3A_124], %add3A_123 {strides = array<i32>} : memref<128x768xf32, #tpu.memory_space<vmem>>, vector<128x768xf32>,
    return
  }
  func.func @transform_0(%arg0: i32) -> (i32, i32) {
    %c0_i32 = arith.constant 0 : i32
    %c0_i32_0 = arith.constant 0 : i32
    return %arg0, %c0_i32 : i32, i32
  }
  func.func @transform_1(%arg0: i32) -> (i32, i32) {
    %c0_i32 = arith.constant 0 : i32
    %c0_i32_0 = arith.constant 0 : i32
    return %arg0, %c0_i32 : i32, i32
  }
  func.func @transform_2(%arg0: i32) -> (i32, i32) {
    %c0_i32 = arith.constant 0 : i32
    %c0_i32_0 = arith.constant 0 : i32
    %c0_i32_1 = arith.constant 0 : i32
    return %c0_i32, %c0_i32_0 : i32, i32
  }
  func.func @transform_3(%arg0: i32) -> i32 {
    %c0_i32 = arith.constant 0 : i32
    %c0_i32_0 = arith.constant 0 : i32
    return %c0_i32 : i32
  }
  func.func @transform_4(%arg0: i32) -> i32 {
    %c0_i32 = arith.constant 0 : i32
    %c0_i32_0 = arith.constant 0 : i32
    return %c0_i32 : i32
  }
  func.func @transform_5(%arg0: i32) -> i32 {
    %c0_i32 = arith.constant 0 : i32
    %c0_i32_0 = arith.constant 0 : i32
    return %c0_i32 : i32
  }
  func.func @transform_6(%arg0: i32) -> (i32, i32) {
    %c0_i32 = arith.constant 0 : i32
    %c0_i32_0 = arith.constant 0 : i32
    %c0_i32_1 = arith.constant 0 : i32
    return %c0_i32, %c0_i32_0 : i32, i32
  }
  func.func @transform_7(%arg0: i32) -> i32 {
    %c0_i32 = arith.constant 0 : i32
    %c0_i32_0 = arith.constant 0 : i32
    return %c0_i32 : i32
  }
  func.func @transform_8(%arg0: i32) -> (i32, i32) {
    %c0_i32 = arith.constant 0 : i32
    %c0_i32_0 = arith.constant 0 : i32
    %c0_i32_1 = arith.constant 0 : i32
    return %c0_i32, %c0_i32_0 : i32, i32
  }
  func.func @transform_9(%arg0: i32) -> i32 {
    %c0_i32 = arith.constant 0 : i32
    %c0_i32_0 = arith.constant 0 : i32
    return %c0_i32 : i32
  }
  func.func @transform_10(%arg0: i32) -> i32 {
    %c0_i32 = arith.constant 0 : i32
    %c0_i32_0 = arith.constant 0 : i32
    return %c0_i32 : i32
  }
  func.func @transform_11(%arg0: i32) -> i32 {
    %c0_i32 = arith.constant 0 : i32
    %c0_i32_0 = arith.constant 0 : i32
    return %c0_i32 : i32
  }
  func.func @transform_12(%arg0: i32) -> (i32, i32) {
    %c0_i32 = arith.constant 0 : i32
    %c0_i32_0 = arith.constant 0 : i32
    %c0_i32_1 = arith.constant 0 : i32
    return %c0_i32, %c0_i32_0 : i32, i32
  }
  func.func @transform_13(%arg0: i32) -> i32 {
    %c0_i32 = arith.constant 0 : i32
    %c0_i32_0 = arith.constant 0 : i32
    return %c0_i32 : i32
  }
  func.func @transform_14(%arg0: i32) -> (i32, i32) {
    %c0_i32 = arith.constant 0 : i32
    %c0_i32_0 = arith.constant 0 : i32
    %c0_i32_1 = arith.constant 0 : i32
    return %c0_i32, %c0_i32_0 : i32, i32
  }
  func.func @transform_15(%arg0: i32) -> i32 {
    %c0_i32 = arith.constant 0 : i32
    %c0_i32_0 = arith.constant 0 : i32
    return %c0_i32 : i32
  }
  func.func @transform_16(%arg0: i32) -> (i32, i32) {
    %c0_i32 = arith.constant 0 : i32
    %c0_i32_0 = arith.constant 0 : i32
    %c0_i32_1 = arith.constant 0 : i32
    return %c0_i32, %c0_i32_0 : i32, i32
  }
  func.func @transform_17(%arg0: i32) -> i32 {
    %c0_i32 = arith.constant 0 : i32
    %c0_i32_0 = arith.constant 0 : i32
    return %c0_i32 : i32
  }
  func.func @transform_18(%arg0: i32) -> (i32, i32) {
    %c0_i32 = arith.constant 0 : i32
    %c0_i32_0 = arith.constant 0 : i32
    %c0_i32_1 = arith.constant 0 : i32
    return %c0_i32, %c0_i32_0 : i32, i32
  }
  func.func @transform_19(%arg0: i32) -> i32 {
    %c0_i32 = arith.constant 0 : i32
    %c0_i32_0 = arith.constant 0 : i32
    return %c0_i32 : i32
  }
  func.func @transform_20(%arg0: i32) -> (i32, i32) {
    %c0_i32 = arith.constant 0 : i32
    %c0_i32_0 = arith.constant 0 : i32
    return %arg0, %c0_i32 : i32, i32
  }
}

module attributes {stable_mosaic.version = 14 : i64} {
  func.func @_tr_body(%arg0: i32, %arg1: i32, %arg2: memref<1056x768xf32, #tpu.memory_space<vmem>>, %arg3: memref<1x1x768xf32, #tpu.memory_space<vmem>>, %arg4: memref<1x1x768xf32, #tpu.memory_space<vmem>>, %arg5: memref<1x768x2304xf32, #tpu.memory_space<vmem>>, %arg6: memref<1x1x2304xf32, #tpu.memory_space<vmem>>, %arg7: memref<1x768x768xf32, #tpu.memory_space<vmem>>, %arg8: memref<1x1x768xf32, #tpu.memory_space<vmem>>, %arg9: memref<1x1x768xf32, #tpu.memory_space<vmem>>, %arg10: memref<1x1x768xf32, #tpu.memory_space<vmem>>, %arg11: memref<1x768x768xf32, #tpu.memory_space<vmem>>, %arg12: memref<1x1x768xf32, #tpu.memory_space<vmem>>, %arg13: memref<1x768x768xf32, #tpu.memory_space<vmem>>, %arg14: memref<1x1x768xf32, #tpu.memory_space<vmem>>, %arg15: memref<768xf32, #tpu.memory_space<vmem>>, %arg16: memref<768xf32, #tpu.memory_space<vmem>>, %arg17: memref<768x512xf32, #tpu.memory_space<vmem>>, %arg18: memref<512xf32, #tpu.memory_space<vmem>>, %arg19: memref<8x512xf32, #tpu.memory_space<vmem>>, %arg20: memref<1056x768xf32, #tpu.memory_space<vmem>>, %arg21: memref<1056x768xf32, #tpu.memory_space<vmem>>, %arg22: memref<1056x768xf32, #tpu.memory_space<vmem>>) attributes {dimension_semantics = [#tpu.dimension_semantics<arbitrary>, #tpu.dimension_semantics<arbitrary>], iteration_bounds = array<i64: 12, 4>, scalar_prefetch = 0 : i64, scratch_operands = 3 : i64, tpu.core_type = #tpu.core_type<tc>, window_params = [{pipeline_mode = #tpu.pipeline_mode<synchronous>, transform_indices = @transform_0, window_bounds = array<i64: 1056, 768>}, {transform_indices = @transform_1, window_bounds = array<i64: 1, 1, 768>}, {transform_indices = @transform_2, window_bounds = array<i64: 1, 1, 768>}, {transform_indices = @transform_3, window_bounds = array<i64: 1, 768, 2304>}, {transform_indices = @transform_4, window_bounds = array<i64: 1, 1, 2304>}, {transform_indices = @transform_5, window_bounds = array<i64: 1, 768, 768>}, {transform_indices = @transform_6, window_bounds = array<i64: 1, 1, 768>}, {transform_indices = @transform_7, window_bounds = array<i64: 1, 1, 768>}, {transform_indices = @transform_8, window_bounds = array<i64: 1, 1, 768>}, {transform_indices = @transform_9, window_bounds = array<i64: 1, 768, 768>}, {transform_indices = @transform_10, window_bounds = array<i64: 1, 1, 768>}, {transform_indices = @transform_11, window_bounds = array<i64: 1, 768, 768>}, {transform_indices = @transform_12, window_bounds = array<i64: 1, 1, 768>}, {pipeline_mode = #tpu.pipeline_mode<synchronous>, transform_indices = @transform_13, window_bounds = array<i64: 768>}, {pipeline_mode = #tpu.pipeline_mode<synchronous>, transform_indices = @transform_14, window_bounds = array<i64: 768>}, {pipeline_mode = #tpu.pipeline_mode<synchronous>, transform_indices = @transform_15, window_bounds = array<i64: 768, 512>}, {pipeline_mode = #tpu.pipeline_mode<synchronous>, transform_indices = @transform_16, window_bounds = array<i64: 512>}, {pipeline_mode = #tpu.pipeline_mode<synchronous>, transform_indices = @transform_17, window_bounds = array<i64: 8, 512>}]} {
    %eq3A = arith.constant 0 : i32
    %eq3A_0 = arith.cmpi eq, %arg0, %eq3A : i32
    %eq3A_1 = arith.constant 0 : i32
    %eq3A_2 = arith.cmpi eq, %arg1, %eq3A_1 : i32
    %and3A = arith.andi %eq3A_0, %eq3A_2 : i1
    %convert_element_type3A = arith.extui %and3A : i1 to i32
    %cond3A = arith.constant 0 : i32
    %cond3A_3 = arith.cmpi ne, %convert_element_type3A, %cond3A : i32
    scf.if %cond3A_3 {
      %get3A_58 = arith.constant 0 : index
      %get3A_59 = arith.constant 0 : index
      %get3A_60 = vector.load %arg2[%get3A_58, %get3A_59] : memref<1056x768xf32, #tpu.memory_space<vmem>>, vector<1056x768xf32>
      %swap3A_61 = arith.constant 0 : index
      %swap3A_62 = arith.constant 0 : index
      %swap3A_63 = vector.load %arg20[%swap3A_61, %swap3A_62] : memref<1056x768xf32, #tpu.memory_space<vmem>>, vector<1056x768xf32>
      tpu.vector_store %arg20[%swap3A_61, %swap3A_62], %get3A_60 {strides = array<i32>} : memref<1056x768xf32, #tpu.memory_space<vmem>>, vector<1056x768xf32>,
    } else {
    }
    %eq3A_4 = arith.constant 0 : i32
    %eq3A_5 = arith.cmpi eq, %arg1, %eq3A_4 : i32
    %convert_element_type3A_6 = arith.extui %eq3A_5 : i1 to i32
    %cond3A_7 = arith.constant 0 : i32
    %cond3A_8 = arith.cmpi ne, %convert_element_type3A_6, %cond3A_7 : i32
    scf.if %cond3A_8 {
      %get3A_58 = arith.constant 0 : index
      %get3A_59 = arith.constant 0 : index
      %get3A_60 = vector.load %arg20[%get3A_58, %get3A_59] : memref<1056x768xf32, #tpu.memory_space<vmem>>, vector<1056x768xf32>
      %iota3A = tpu.iota {dimensions = array<i32: 2>} : vector<1x1x264xi32>
      %ge3A = arith.constant 257 : i32
      %ge3A_61 = vector.broadcast %ge3A : i32 to vector<1x1x264xi32>
      %ge3A_62 = arith.cmpi sge, %iota3A, %ge3A_61 : vector<1x1x264xi32>
      %jit3A = arith.constant -1.000000e+30 : f32
      %jit3A_63 = arith.constant 0.000000e+00 : f32
      %broadcast_in_dim3A = vector.broadcast %jit3A : f32 to vector<1x1x264xf32>
      %broadcast_in_dim3A_64 = vector.broadcast %jit3A_63 : f32 to vector<1x1x264xf32>
      %select_n3A = arith.select %ge3A_62, %broadcast_in_dim3A, %broadcast_in_dim3A_64 : vector<1x1x264xi1>, vector<1x1x264xf32>
      %get3A_65 = arith.constant 0 : index
      %get3A_66 = arith.constant 0 : index
      %get3A_67 = arith.constant 0 : index
      %get3A_68 = vector.load %arg3[%get3A_65, %get3A_66, %get3A_67] : memref<1x1x768xf32, #tpu.memory_space<vmem>>, vector<1x1x768xf32>
      %get3A_69 = vector.shape_cast %get3A_68 : vector<1x1x768xf32> to vector<1x768xf32>
      %get3A_70 = arith.constant 0 : index
      %get3A_71 = arith.constant 0 : index
      %get3A_72 = arith.constant 0 : index
      %get3A_73 = vector.load %arg4[%get3A_70, %get3A_71, %get3A_72] : memref<1x1x768xf32, #tpu.memory_space<vmem>>, vector<1x1x768xf32>
      %get3A_74 = vector.shape_cast %get3A_73 : vector<1x1x768xf32> to vector<1x768xf32>
      %reduce_sum3A = arith.constant dense<0.000000e+00> : vector<1056xf32>
      %reduce_sum3A_75 = vector.multi_reduction <add>, %get3A_60, %reduce_sum3A [1] : vector<1056x768xf32> to vector<1056xf32>
      %broadcast_in_dim3A_76 = vector.shape_cast %reduce_sum3A_75 : vector<1056xf32> to vector<1056x1xf32>
      %div3A = arith.constant 7.680000e+02 : f32
      %div3A_77 = vector.broadcast %div3A : f32 to vector<1056x1xf32>
      %div3A_78 = arith.divf %broadcast_in_dim3A_76, %div3A_77 : vector<1056x1xf32>
      %sub3A = vector.broadcast %div3A_78 : vector<1056x1xf32> to vector<1056x768xf32>
      %sub3A_79 = arith.subf %get3A_60, %sub3A : vector<1056x768xf32>
      %integer_pow3A_80 = arith.mulf %sub3A_79, %sub3A_79 : vector<1056x768xf32>
      %reduce_sum3A_81 = arith.constant dense<0.000000e+00> : vector<1056xf32>
      %reduce_sum3A_82 = vector.multi_reduction <add>, %integer_pow3A_80, %reduce_sum3A_81 [1] : vector<1056x768xf32> to vector<1056xf32>
      %broadcast_in_dim3A_83 = vector.shape_cast %reduce_sum3A_82 : vector<1056xf32> to vector<1056x1xf32>
      %div3A_84 = arith.constant 7.680000e+02 : f32
      %div3A_85 = vector.broadcast %div3A_84 : f32 to vector<1056x1xf32>
      %div3A_86 = arith.divf %broadcast_in_dim3A_83, %div3A_85 : vector<1056x1xf32>
      %sub3A_87 = vector.broadcast %div3A_78 : vector<1056x1xf32> to vector<1056x768xf32>
      %sub3A_88 = arith.subf %get3A_60, %sub3A_87 : vector<1056x768xf32>
      %add3A_89 = arith.constant 9.99999974E-6 : f32
      %add3A_90 = vector.broadcast %add3A_89 : f32 to vector<1056x1xf32>
      %add3A_91 = arith.addf %div3A_86, %add3A_90 : vector<1056x1xf32>
      %sqrt3A = math.sqrt %add3A_91 : vector<1056x1xf32>
      %div3A_92 = vector.broadcast %sqrt3A : vector<1056x1xf32> to vector<1056x768xf32>
      %div3A_93 = arith.divf %sub3A_88, %div3A_92 : vector<1056x768xf32>
      %mul3A_94 = vector.broadcast %get3A_69 : vector<1x768xf32> to vector<1056x768xf32>
      %mul3A_95 = arith.mulf %div3A_93, %mul3A_94 : vector<1056x768xf32>
      %add3A_96 = vector.broadcast %get3A_74 : vector<1x768xf32> to vector<1056x768xf32>
      %add3A_97 = arith.addf %mul3A_95, %add3A_96 : vector<1056x768xf32>
      %get3A_98 = arith.constant 0 : index
      %get3A_99 = arith.constant 0 : index
      %get3A_100 = arith.constant 0 : index
      %get3A_101 = vector.load %arg5[%get3A_98, %get3A_99, %get3A_100] : memref<1x768x2304xf32, #tpu.memory_space<vmem>>, vector<1x768x2304xf32>
      %get3A_102 = vector.shape_cast %get3A_101 : vector<1x768x2304xf32> to vector<768x2304xf32>
      %dot_general3A_103 = arith.constant dense<0.000000e+00> : vector<1056x2304xf32>
      %dot_general3A_104 = tpu.matmul %add3A_97, %get3A_102, %dot_general3A_103 {dimension_numbers = #tpu.dot_dimension_numbers<[1], [0], [0], [1], [0, 0, 1, 1], [], []>, transpose_lhs_hint = false} : vector<1056x768xf32>, vector<768x2304xf32>, vector<1056x2304xf32> -> vector<1056x2304xf32>
      %get3A_105 = arith.constant 0 : index
      %get3A_106 = arith.constant 0 : index
      %get3A_107 = arith.constant 0 : index
      %get3A_108 = vector.load %arg6[%get3A_105, %get3A_106, %get3A_107] : memref<1x1x2304xf32, #tpu.memory_space<vmem>>, vector<1x1x2304xf32>
      %get3A_109 = vector.shape_cast %get3A_108 : vector<1x1x2304xf32> to vector<1x2304xf32>
      %add3A_110 = vector.broadcast %get3A_109 : vector<1x2304xf32> to vector<1056x2304xf32>
      %add3A_111 = arith.addf %dot_general3A_104, %add3A_110 : vector<1056x2304xf32>
      %reshape3A = vector.shape_cast %add3A_111 : vector<1056x2304xf32> to vector<4x264x2304xf32>
      %slice3A = vector.extract_strided_slice %reshape3A {offsets = [0, 0, 0], sizes = [4, 264, 64], strides = [1, 1, 1]} : vector<4x264x2304xf32> to vector<4x264x64xf32>
      %slice3A_112 = vector.extract_strided_slice %reshape3A {offsets = [0, 0, 768], sizes = [4, 264, 64], strides = [1, 1, 1]} : vector<4x264x2304xf32> to vector<4x264x64xf32>
      %slice3A_113 = vector.extract_strided_slice %reshape3A {offsets = [0, 0, 1536], sizes = [4, 264, 64], strides = [1, 1, 1]} : vector<4x264x2304xf32> to vector<4x264x64xf32>
      %dot_general3A_114 = arith.constant dense<0.000000e+00> : vector<4x264x264xf32>
      %dot_general3A_115 = tpu.matmul %slice3A, %slice3A_112, %dot_general3A_114 {dimension_numbers = #tpu.dot_dimension_numbers<[2], [2], [1], [1], [0, 0, 0, 1, 1, 1], [0], [0]>, transpose_lhs_hint = false} : vector<4x264x64xf32>, vector<4x264x64xf32>, vector<4x264x264xf32> -> vector<4x264x264xf32>
      %mul3A_116 = arith.constant 1.250000e-01 : f32
      %mul3A_117 = vector.broadcast %mul3A_116 : f32 to vector<4x264x264xf32>
      %mul3A_118 = arith.mulf %dot_general3A_115, %mul3A_117 : vector<4x264x264xf32>
      %add3A_119 = vector.broadcast %select_n3A : vector<1x1x264xf32> to vector<4x264x264xf32>
      %add3A_120 = arith.addf %mul3A_118, %add3A_119 : vector<4x264x264xf32>
      %reduce_max3A = arith.constant dense<0xFF800000> : vector<4x264xf32>
      %reduce_max3A_121 = vector.multi_reduction <maximumf>, %add3A_120, %reduce_max3A [2] : vector<4x264x264xf32> to vector<4x264xf32>
      %broadcast_in_dim3A_122 = vector.shape_cast %reduce_max3A_121 : vector<4x264xf32> to vector<4x264x1xf32>
      %sub3A_123 = vector.broadcast %broadcast_in_dim3A_122 : vector<4x264x1xf32> to vector<4x264x264xf32>
      %sub3A_124 = arith.subf %add3A_120, %sub3A_123 : vector<4x264x264xf32>
      %exp3A = math.exp %sub3A_124 : vector<4x264x264xf32>
      %reduce_sum3A_125 = arith.constant dense<0.000000e+00> : vector<4x264xf32>
      %reduce_sum3A_126 = vector.multi_reduction <add>, %exp3A, %reduce_sum3A_125 [2] : vector<4x264x264xf32> to vector<4x264xf32>
      %broadcast_in_dim3A_127 = vector.shape_cast %reduce_sum3A_126 : vector<4x264xf32> to vector<4x264x1xf32>
      %div3A_128 = vector.broadcast %broadcast_in_dim3A_127 : vector<4x264x1xf32> to vector<4x264x264xf32>
      %div3A_129 = arith.divf %exp3A, %div3A_128 : vector<4x264x264xf32>
      %dot_general3A_130 = arith.constant dense<0.000000e+00> : vector<4x264x64xf32>
      %dot_general3A_131 = tpu.matmul %div3A_129, %slice3A_113, %dot_general3A_130 {dimension_numbers = #tpu.dot_dimension_numbers<[2], [1], [1], [2], [0, 0, 0, 1, 1, 2], [0], [0]>, transpose_lhs_hint = false} : vector<4x264x264xf32>, vector<4x264x64xf32>, vector<4x264x64xf32> -> vector<4x264x64xf32>
      %slice3A_132 = vector.extract_strided_slice %reshape3A {offsets = [0, 0, 64], sizes = [4, 264, 64], strides = [1, 1, 1]} : vector<4x264x2304xf32> to vector<4x264x64xf32>
      %slice3A_133 = vector.extract_strided_slice %reshape3A {offsets = [0, 0, 832], sizes = [4, 264, 64], strides = [1, 1, 1]} : vector<4x264x2304xf32> to vector<4x264x64xf32>
      %slice3A_134 = vector.extract_strided_slice %reshape3A {offsets = [0, 0, 1600], sizes = [4, 264, 64], strides = [1, 1, 1]} : vector<4x264x2304xf32> to vector<4x264x64xf32>
      %dot_general3A_135 = arith.constant dense<0.000000e+00> : vector<4x264x264xf32>
      %dot_general3A_136 = tpu.matmul %slice3A_132, %slice3A_133, %dot_general3A_135 {dimension_numbers = #tpu.dot_dimension_numbers<[2], [2], [1], [1], [0, 0, 0, 1, 1, 1], [0], [0]>, transpose_lhs_hint = false} : vector<4x264x64xf32>, vector<4x264x64xf32>, vector<4x264x264xf32> -> vector<4x264x264xf32>
      %mul3A_137 = arith.constant 1.250000e-01 : f32
      %mul3A_138 = vector.broadcast %mul3A_137 : f32 to vector<4x264x264xf32>
      %mul3A_139 = arith.mulf %dot_general3A_136, %mul3A_138 : vector<4x264x264xf32>
      %add3A_140 = vector.broadcast %select_n3A : vector<1x1x264xf32> to vector<4x264x264xf32>
      %add3A_141 = arith.addf %mul3A_139, %add3A_140 : vector<4x264x264xf32>
      %reduce_max3A_142 = arith.constant dense<0xFF800000> : vector<4x264xf32>
      %reduce_max3A_143 = vector.multi_reduction <maximumf>, %add3A_141, %reduce_max3A_142 [2] : vector<4x264x264xf32> to vector<4x264xf32>
      %broadcast_in_dim3A_144 = vector.shape_cast %reduce_max3A_143 : vector<4x264xf32> to vector<4x264x1xf32>
      %sub3A_145 = vector.broadcast %broadcast_in_dim3A_144 : vector<4x264x1xf32> to vector<4x264x264xf32>
      %sub3A_146 = arith.subf %add3A_141, %sub3A_145 : vector<4x264x264xf32>
      %exp3A_147 = math.exp %sub3A_146 : vector<4x264x264xf32>
      %reduce_sum3A_148 = arith.constant dense<0.000000e+00> : vector<4x264xf32>
      %reduce_sum3A_149 = vector.multi_reduction <add>, %exp3A_147, %reduce_sum3A_148 [2] : vector<4x264x264xf32> to vector<4x264xf32>
      %broadcast_in_dim3A_150 = vector.shape_cast %reduce_sum3A_149 : vector<4x264xf32> to vector<4x264x1xf32>
      %div3A_151 = vector.broadcast %broadcast_in_dim3A_150 : vector<4x264x1xf32> to vector<4x264x264xf32>
      %div3A_152 = arith.divf %exp3A_147, %div3A_151 : vector<4x264x264xf32>
      %dot_general3A_153 = arith.constant dense<0.000000e+00> : vector<4x264x64xf32>
      %dot_general3A_154 = tpu.matmul %div3A_152, %slice3A_134, %dot_general3A_153 {dimension_numbers = #tpu.dot_dimension_numbers<[2], [1], [1], [2], [0, 0, 0, 1, 1, 2], [0], [0]>, transpose_lhs_hint = false} : vector<4x264x264xf32>, vector<4x264x64xf32>, vector<4x264x64xf32> -> vector<4x264x64xf32>
      %slice3A_155 = vector.extract_strided_slice %reshape3A {offsets = [0, 0, 128], sizes = [4, 264, 64], strides = [1, 1, 1]} : vector<4x264x2304xf32> to vector<4x264x64xf32>
      %slice3A_156 = vector.extract_strided_slice %reshape3A {offsets = [0, 0, 896], sizes = [4, 264, 64], strides = [1, 1, 1]} : vector<4x264x2304xf32> to vector<4x264x64xf32>
      %slice3A_157 = vector.extract_strided_slice %reshape3A {offsets = [0, 0, 1664], sizes = [4, 264, 64], strides = [1, 1, 1]} : vector<4x264x2304xf32> to vector<4x264x64xf32>
      %dot_general3A_158 = arith.constant dense<0.000000e+00> : vector<4x264x264xf32>
      %dot_general3A_159 = tpu.matmul %slice3A_155, %slice3A_156, %dot_general3A_158 {dimension_numbers = #tpu.dot_dimension_numbers<[2], [2], [1], [1], [0, 0, 0, 1, 1, 1], [0], [0]>, transpose_lhs_hint = false} : vector<4x264x64xf32>, vector<4x264x64xf32>, vector<4x264x264xf32> -> vector<4x264x264xf32>
      %mul3A_160 = arith.constant 1.250000e-01 : f32
      %mul3A_161 = vector.broadcast %mul3A_160 : f32 to vector<4x264x264xf32>
      %mul3A_162 = arith.mulf %dot_general3A_159, %mul3A_161 : vector<4x264x264xf32>
      %add3A_163 = vector.broadcast %select_n3A : vector<1x1x264xf32> to vector<4x264x264xf32>
      %add3A_164 = arith.addf %mul3A_162, %add3A_163 : vector<4x264x264xf32>
      %reduce_max3A_165 = arith.constant dense<0xFF800000> : vector<4x264xf32>
      %reduce_max3A_166 = vector.multi_reduction <maximumf>, %add3A_164, %reduce_max3A_165 [2] : vector<4x264x264xf32> to vector<4x264xf32>
      %broadcast_in_dim3A_167 = vector.shape_cast %reduce_max3A_166 : vector<4x264xf32> to vector<4x264x1xf32>
      %sub3A_168 = vector.broadcast %broadcast_in_dim3A_167 : vector<4x264x1xf32> to vector<4x264x264xf32>
      %sub3A_169 = arith.subf %add3A_164, %sub3A_168 : vector<4x264x264xf32>
      %exp3A_170 = math.exp %sub3A_169 : vector<4x264x264xf32>
      %reduce_sum3A_171 = arith.constant dense<0.000000e+00> : vector<4x264xf32>
      %reduce_sum3A_172 = vector.multi_reduction <add>, %exp3A_170, %reduce_sum3A_171 [2] : vector<4x264x264xf32> to vector<4x264xf32>
      %broadcast_in_dim3A_173 = vector.shape_cast %reduce_sum3A_172 : vector<4x264xf32> to vector<4x264x1xf32>
      %div3A_174 = vector.broadcast %broadcast_in_dim3A_173 : vector<4x264x1xf32> to vector<4x264x264xf32>
      %div3A_175 = arith.divf %exp3A_170, %div3A_174 : vector<4x264x264xf32>
      %dot_general3A_176 = arith.constant dense<0.000000e+00> : vector<4x264x64xf32>
      %dot_general3A_177 = tpu.matmul %div3A_175, %slice3A_157, %dot_general3A_176 {dimension_numbers = #tpu.dot_dimension_numbers<[2], [1], [1], [2], [0, 0, 0, 1, 1, 2], [0], [0]>, transpose_lhs_hint = false} : vector<4x264x264xf32>, vector<4x264x64xf32>, vector<4x264x64xf32> -> vector<4x264x64xf32>
      %slice3A_178 = vector.extract_strided_slice %reshape3A {offsets = [0, 0, 192], sizes = [4, 264, 64], strides = [1, 1, 1]} : vector<4x264x2304xf32> to vector<4x264x64xf32>
      %slice3A_179 = vector.extract_strided_slice %reshape3A {offsets = [0, 0, 960], sizes = [4, 264, 64], strides = [1, 1, 1]} : vector<4x264x2304xf32> to vector<4x264x64xf32>
      %slice3A_180 = vector.extract_strided_slice %reshape3A {offsets = [0, 0, 1728], sizes = [4, 264, 64], strides = [1, 1, 1]} : vector<4x264x2304xf32> to vector<4x264x64xf32>
      %dot_general3A_181 = arith.constant dense<0.000000e+00> : vector<4x264x264xf32>
      %dot_general3A_182 = tpu.matmul %slice3A_178, %slice3A_179, %dot_general3A_181 {dimension_numbers = #tpu.dot_dimension_numbers<[2], [2], [1], [1], [0, 0, 0, 1, 1, 1], [0], [0]>, transpose_lhs_hint = false} : vector<4x264x64xf32>, vector<4x264x64xf32>, vector<4x264x264xf32> -> vector<4x264x264xf32>
      %mul3A_183 = arith.constant 1.250000e-01 : f32
      %mul3A_184 = vector.broadcast %mul3A_183 : f32 to vector<4x264x264xf32>
      %mul3A_185 = arith.mulf %dot_general3A_182, %mul3A_184 : vector<4x264x264xf32>
      %add3A_186 = vector.broadcast %select_n3A : vector<1x1x264xf32> to vector<4x264x264xf32>
      %add3A_187 = arith.addf %mul3A_185, %add3A_186 : vector<4x264x264xf32>
      %reduce_max3A_188 = arith.constant dense<0xFF800000> : vector<4x264xf32>
      %reduce_max3A_189 = vector.multi_reduction <maximumf>, %add3A_187, %reduce_max3A_188 [2] : vector<4x264x264xf32> to vector<4x264xf32>
      %broadcast_in_dim3A_190 = vector.shape_cast %reduce_max3A_189 : vector<4x264xf32> to vector<4x264x1xf32>
      %sub3A_191 = vector.broadcast %broadcast_in_dim3A_190 : vector<4x264x1xf32> to vector<4x264x264xf32>
      %sub3A_192 = arith.subf %add3A_187, %sub3A_191 : vector<4x264x264xf32>
      %exp3A_193 = math.exp %sub3A_192 : vector<4x264x264xf32>
      %reduce_sum3A_194 = arith.constant dense<0.000000e+00> : vector<4x264xf32>
      %reduce_sum3A_195 = vector.multi_reduction <add>, %exp3A_193, %reduce_sum3A_194 [2] : vector<4x264x264xf32> to vector<4x264xf32>
      %broadcast_in_dim3A_196 = vector.shape_cast %reduce_sum3A_195 : vector<4x264xf32> to vector<4x264x1xf32>
      %div3A_197 = vector.broadcast %broadcast_in_dim3A_196 : vector<4x264x1xf32> to vector<4x264x264xf32>
      %div3A_198 = arith.divf %exp3A_193, %div3A_197 : vector<4x264x264xf32>
      %dot_general3A_199 = arith.constant dense<0.000000e+00> : vector<4x264x64xf32>
      %dot_general3A_200 = tpu.matmul %div3A_198, %slice3A_180, %dot_general3A_199 {dimension_numbers = #tpu.dot_dimension_numbers<[2], [1], [1], [2], [0, 0, 0, 1, 1, 2], [0], [0]>, transpose_lhs_hint = false} : vector<4x264x264xf32>, vector<4x264x64xf32>, vector<4x264x64xf32> -> vector<4x264x64xf32>
      %slice3A_201 = vector.extract_strided_slice %reshape3A {offsets = [0, 0, 256], sizes = [4, 264, 64], strides = [1, 1, 1]} : vector<4x264x2304xf32> to vector<4x264x64xf32>
      %slice3A_202 = vector.extract_strided_slice %reshape3A {offsets = [0, 0, 1024], sizes = [4, 264, 64], strides = [1, 1, 1]} : vector<4x264x2304xf32> to vector<4x264x64xf32>
      %slice3A_203 = vector.extract_strided_slice %reshape3A {offsets = [0, 0, 1792], sizes = [4, 264, 64], strides = [1, 1, 1]} : vector<4x264x2304xf32> to vector<4x264x64xf32>
      %dot_general3A_204 = arith.constant dense<0.000000e+00> : vector<4x264x264xf32>
      %dot_general3A_205 = tpu.matmul %slice3A_201, %slice3A_202, %dot_general3A_204 {dimension_numbers = #tpu.dot_dimension_numbers<[2], [2], [1], [1], [0, 0, 0, 1, 1, 1], [0], [0]>, transpose_lhs_hint = false} : vector<4x264x64xf32>, vector<4x264x64xf32>, vector<4x264x264xf32> -> vector<4x264x264xf32>
      %mul3A_206 = arith.constant 1.250000e-01 : f32
      %mul3A_207 = vector.broadcast %mul3A_206 : f32 to vector<4x264x264xf32>
      %mul3A_208 = arith.mulf %dot_general3A_205, %mul3A_207 : vector<4x264x264xf32>
      %add3A_209 = vector.broadcast %select_n3A : vector<1x1x264xf32> to vector<4x264x264xf32>
      %add3A_210 = arith.addf %mul3A_208, %add3A_209 : vector<4x264x264xf32>
      %reduce_max3A_211 = arith.constant dense<0xFF800000> : vector<4x264xf32>
      %reduce_max3A_212 = vector.multi_reduction <maximumf>, %add3A_210, %reduce_max3A_211 [2] : vector<4x264x264xf32> to vector<4x264xf32>
      %broadcast_in_dim3A_213 = vector.shape_cast %reduce_max3A_212 : vector<4x264xf32> to vector<4x264x1xf32>
      %sub3A_214 = vector.broadcast %broadcast_in_dim3A_213 : vector<4x264x1xf32> to vector<4x264x264xf32>
      %sub3A_215 = arith.subf %add3A_210, %sub3A_214 : vector<4x264x264xf32>
      %exp3A_216 = math.exp %sub3A_215 : vector<4x264x264xf32>
      %reduce_sum3A_217 = arith.constant dense<0.000000e+00> : vector<4x264xf32>
      %reduce_sum3A_218 = vector.multi_reduction <add>, %exp3A_216, %reduce_sum3A_217 [2] : vector<4x264x264xf32> to vector<4x264xf32>
      %broadcast_in_dim3A_219 = vector.shape_cast %reduce_sum3A_218 : vector<4x264xf32> to vector<4x264x1xf32>
      %div3A_220 = vector.broadcast %broadcast_in_dim3A_219 : vector<4x264x1xf32> to vector<4x264x264xf32>
      %div3A_221 = arith.divf %exp3A_216, %div3A_220 : vector<4x264x264xf32>
      %dot_general3A_222 = arith.constant dense<0.000000e+00> : vector<4x264x64xf32>
      %dot_general3A_223 = tpu.matmul %div3A_221, %slice3A_203, %dot_general3A_222 {dimension_numbers = #tpu.dot_dimension_numbers<[2], [1], [1], [2], [0, 0, 0, 1, 1, 2], [0], [0]>, transpose_lhs_hint = false} : vector<4x264x264xf32>, vector<4x264x64xf32>, vector<4x264x64xf32> -> vector<4x264x64xf32>
      %slice3A_224 = vector.extract_strided_slice %reshape3A {offsets = [0, 0, 320], sizes = [4, 264, 64], strides = [1, 1, 1]} : vector<4x264x2304xf32> to vector<4x264x64xf32>
      %slice3A_225 = vector.extract_strided_slice %reshape3A {offsets = [0, 0, 1088], sizes = [4, 264, 64], strides = [1, 1, 1]} : vector<4x264x2304xf32> to vector<4x264x64xf32>
      %slice3A_226 = vector.extract_strided_slice %reshape3A {offsets = [0, 0, 1856], sizes = [4, 264, 64], strides = [1, 1, 1]} : vector<4x264x2304xf32> to vector<4x264x64xf32>
      %dot_general3A_227 = arith.constant dense<0.000000e+00> : vector<4x264x264xf32>
      %dot_general3A_228 = tpu.matmul %slice3A_224, %slice3A_225, %dot_general3A_227 {dimension_numbers = #tpu.dot_dimension_numbers<[2], [2], [1], [1], [0, 0, 0, 1, 1, 1], [0], [0]>, transpose_lhs_hint = false} : vector<4x264x64xf32>, vector<4x264x64xf32>, vector<4x264x264xf32> -> vector<4x264x264xf32>
      %mul3A_229 = arith.constant 1.250000e-01 : f32
      %mul3A_230 = vector.broadcast %mul3A_229 : f32 to vector<4x264x264xf32>
      %mul3A_231 = arith.mulf %dot_general3A_228, %mul3A_230 : vector<4x264x264xf32>
      %add3A_232 = vector.broadcast %select_n3A : vector<1x1x264xf32> to vector<4x264x264xf32>
      %add3A_233 = arith.addf %mul3A_231, %add3A_232 : vector<4x264x264xf32>
      %reduce_max3A_234 = arith.constant dense<0xFF800000> : vector<4x264xf32>
      %reduce_max3A_235 = vector.multi_reduction <maximumf>, %add3A_233, %reduce_max3A_234 [2] : vector<4x264x264xf32> to vector<4x264xf32>
      %broadcast_in_dim3A_236 = vector.shape_cast %reduce_max3A_235 : vector<4x264xf32> to vector<4x264x1xf32>
      %sub3A_237 = vector.broadcast %broadcast_in_dim3A_236 : vector<4x264x1xf32> to vector<4x264x264xf32>
      %sub3A_238 = arith.subf %add3A_233, %sub3A_237 : vector<4x264x264xf32>
      %exp3A_239 = math.exp %sub3A_238 : vector<4x264x264xf32>
      %reduce_sum3A_240 = arith.constant dense<0.000000e+00> : vector<4x264xf32>
      %reduce_sum3A_241 = vector.multi_reduction <add>, %exp3A_239, %reduce_sum3A_240 [2] : vector<4x264x264xf32> to vector<4x264xf32>
      %broadcast_in_dim3A_242 = vector.shape_cast %reduce_sum3A_241 : vector<4x264xf32> to vector<4x264x1xf32>
      %div3A_243 = vector.broadcast %broadcast_in_dim3A_242 : vector<4x264x1xf32> to vector<4x264x264xf32>
      %div3A_244 = arith.divf %exp3A_239, %div3A_243 : vector<4x264x264xf32>
      %dot_general3A_245 = arith.constant dense<0.000000e+00> : vector<4x264x64xf32>
      %dot_general3A_246 = tpu.matmul %div3A_244, %slice3A_226, %dot_general3A_245 {dimension_numbers = #tpu.dot_dimension_numbers<[2], [1], [1], [2], [0, 0, 0, 1, 1, 2], [0], [0]>, transpose_lhs_hint = false} : vector<4x264x264xf32>, vector<4x264x64xf32>, vector<4x264x64xf32> -> vector<4x264x64xf32>
      %slice3A_247 = vector.extract_strided_slice %reshape3A {offsets = [0, 0, 384], sizes = [4, 264, 64], strides = [1, 1, 1]} : vector<4x264x2304xf32> to vector<4x264x64xf32>
      %slice3A_248 = vector.extract_strided_slice %reshape3A {offsets = [0, 0, 1152], sizes = [4, 264, 64], strides = [1, 1, 1]} : vector<4x264x2304xf32> to vector<4x264x64xf32>
      %slice3A_249 = vector.extract_strided_slice %reshape3A {offsets = [0, 0, 1920], sizes = [4, 264, 64], strides = [1, 1, 1]} : vector<4x264x2304xf32> to vector<4x264x64xf32>
      %dot_general3A_250 = arith.constant dense<0.000000e+00> : vector<4x264x264xf32>
      %dot_general3A_251 = tpu.matmul %slice3A_247, %slice3A_248, %dot_general3A_250 {dimension_numbers = #tpu.dot_dimension_numbers<[2], [2], [1], [1], [0, 0, 0, 1, 1, 1], [0], [0]>, transpose_lhs_hint = false} : vector<4x264x64xf32>, vector<4x264x64xf32>, vector<4x264x264xf32> -> vector<4x264x264xf32>
      %mul3A_252 = arith.constant 1.250000e-01 : f32
      %mul3A_253 = vector.broadcast %mul3A_252 : f32 to vector<4x264x264xf32>
      %mul3A_254 = arith.mulf %dot_general3A_251, %mul3A_253 : vector<4x264x264xf32>
      %add3A_255 = vector.broadcast %select_n3A : vector<1x1x264xf32> to vector<4x264x264xf32>
      %add3A_256 = arith.addf %mul3A_254, %add3A_255 : vector<4x264x264xf32>
      %reduce_max3A_257 = arith.constant dense<0xFF800000> : vector<4x264xf32>
      %reduce_max3A_258 = vector.multi_reduction <maximumf>, %add3A_256, %reduce_max3A_257 [2] : vector<4x264x264xf32> to vector<4x264xf32>
      %broadcast_in_dim3A_259 = vector.shape_cast %reduce_max3A_258 : vector<4x264xf32> to vector<4x264x1xf32>
      %sub3A_260 = vector.broadcast %broadcast_in_dim3A_259 : vector<4x264x1xf32> to vector<4x264x264xf32>
      %sub3A_261 = arith.subf %add3A_256, %sub3A_260 : vector<4x264x264xf32>
      %exp3A_262 = math.exp %sub3A_261 : vector<4x264x264xf32>
      %reduce_sum3A_263 = arith.constant dense<0.000000e+00> : vector<4x264xf32>
      %reduce_sum3A_264 = vector.multi_reduction <add>, %exp3A_262, %reduce_sum3A_263 [2] : vector<4x264x264xf32> to vector<4x264xf32>
      %broadcast_in_dim3A_265 = vector.shape_cast %reduce_sum3A_264 : vector<4x264xf32> to vector<4x264x1xf32>
      %div3A_266 = vector.broadcast %broadcast_in_dim3A_265 : vector<4x264x1xf32> to vector<4x264x264xf32>
      %div3A_267 = arith.divf %exp3A_262, %div3A_266 : vector<4x264x264xf32>
      %dot_general3A_268 = arith.constant dense<0.000000e+00> : vector<4x264x64xf32>
      %dot_general3A_269 = tpu.matmul %div3A_267, %slice3A_249, %dot_general3A_268 {dimension_numbers = #tpu.dot_dimension_numbers<[2], [1], [1], [2], [0, 0, 0, 1, 1, 2], [0], [0]>, transpose_lhs_hint = false} : vector<4x264x264xf32>, vector<4x264x64xf32>, vector<4x264x64xf32> -> vector<4x264x64xf32>
      %slice3A_270 = vector.extract_strided_slice %reshape3A {offsets = [0, 0, 448], sizes = [4, 264, 64], strides = [1, 1, 1]} : vector<4x264x2304xf32> to vector<4x264x64xf32>
      %slice3A_271 = vector.extract_strided_slice %reshape3A {offsets = [0, 0, 1216], sizes = [4, 264, 64], strides = [1, 1, 1]} : vector<4x264x2304xf32> to vector<4x264x64xf32>
      %slice3A_272 = vector.extract_strided_slice %reshape3A {offsets = [0, 0, 1984], sizes = [4, 264, 64], strides = [1, 1, 1]} : vector<4x264x2304xf32> to vector<4x264x64xf32>
      %dot_general3A_273 = arith.constant dense<0.000000e+00> : vector<4x264x264xf32>
      %dot_general3A_274 = tpu.matmul %slice3A_270, %slice3A_271, %dot_general3A_273 {dimension_numbers = #tpu.dot_dimension_numbers<[2], [2], [1], [1], [0, 0, 0, 1, 1, 1], [0], [0]>, transpose_lhs_hint = false} : vector<4x264x64xf32>, vector<4x264x64xf32>, vector<4x264x264xf32> -> vector<4x264x264xf32>
      %mul3A_275 = arith.constant 1.250000e-01 : f32
      %mul3A_276 = vector.broadcast %mul3A_275 : f32 to vector<4x264x264xf32>
      %mul3A_277 = arith.mulf %dot_general3A_274, %mul3A_276 : vector<4x264x264xf32>
      %add3A_278 = vector.broadcast %select_n3A : vector<1x1x264xf32> to vector<4x264x264xf32>
      %add3A_279 = arith.addf %mul3A_277, %add3A_278 : vector<4x264x264xf32>
      %reduce_max3A_280 = arith.constant dense<0xFF800000> : vector<4x264xf32>
      %reduce_max3A_281 = vector.multi_reduction <maximumf>, %add3A_279, %reduce_max3A_280 [2] : vector<4x264x264xf32> to vector<4x264xf32>
      %broadcast_in_dim3A_282 = vector.shape_cast %reduce_max3A_281 : vector<4x264xf32> to vector<4x264x1xf32>
      %sub3A_283 = vector.broadcast %broadcast_in_dim3A_282 : vector<4x264x1xf32> to vector<4x264x264xf32>
      %sub3A_284 = arith.subf %add3A_279, %sub3A_283 : vector<4x264x264xf32>
      %exp3A_285 = math.exp %sub3A_284 : vector<4x264x264xf32>
      %reduce_sum3A_286 = arith.constant dense<0.000000e+00> : vector<4x264xf32>
      %reduce_sum3A_287 = vector.multi_reduction <add>, %exp3A_285, %reduce_sum3A_286 [2] : vector<4x264x264xf32> to vector<4x264xf32>
      %broadcast_in_dim3A_288 = vector.shape_cast %reduce_sum3A_287 : vector<4x264xf32> to vector<4x264x1xf32>
      %div3A_289 = vector.broadcast %broadcast_in_dim3A_288 : vector<4x264x1xf32> to vector<4x264x264xf32>
      %div3A_290 = arith.divf %exp3A_285, %div3A_289 : vector<4x264x264xf32>
      %dot_general3A_291 = arith.constant dense<0.000000e+00> : vector<4x264x64xf32>
      %dot_general3A_292 = tpu.matmul %div3A_290, %slice3A_272, %dot_general3A_291 {dimension_numbers = #tpu.dot_dimension_numbers<[2], [1], [1], [2], [0, 0, 0, 1, 1, 2], [0], [0]>, transpose_lhs_hint = false} : vector<4x264x264xf32>, vector<4x264x64xf32>, vector<4x264x64xf32> -> vector<4x264x64xf32>
      %slice3A_293 = vector.extract_strided_slice %reshape3A {offsets = [0, 0, 512], sizes = [4, 264, 64], strides = [1, 1, 1]} : vector<4x264x2304xf32> to vector<4x264x64xf32>
      %slice3A_294 = vector.extract_strided_slice %reshape3A {offsets = [0, 0, 1280], sizes = [4, 264, 64], strides = [1, 1, 1]} : vector<4x264x2304xf32> to vector<4x264x64xf32>
      %slice3A_295 = vector.extract_strided_slice %reshape3A {offsets = [0, 0, 2048], sizes = [4, 264, 64], strides = [1, 1, 1]} : vector<4x264x2304xf32> to vector<4x264x64xf32>
      %dot_general3A_296 = arith.constant dense<0.000000e+00> : vector<4x264x264xf32>
      %dot_general3A_297 = tpu.matmul %slice3A_293, %slice3A_294, %dot_general3A_296 {dimension_numbers = #tpu.dot_dimension_numbers<[2], [2], [1], [1], [0, 0, 0, 1, 1, 1], [0], [0]>, transpose_lhs_hint = false} : vector<4x264x64xf32>, vector<4x264x64xf32>, vector<4x264x264xf32> -> vector<4x264x264xf32>
      %mul3A_298 = arith.constant 1.250000e-01 : f32
      %mul3A_299 = vector.broadcast %mul3A_298 : f32 to vector<4x264x264xf32>
      %mul3A_300 = arith.mulf %dot_general3A_297, %mul3A_299 : vector<4x264x264xf32>
      %add3A_301 = vector.broadcast %select_n3A : vector<1x1x264xf32> to vector<4x264x264xf32>
      %add3A_302 = arith.addf %mul3A_300, %add3A_301 : vector<4x264x264xf32>
      %reduce_max3A_303 = arith.constant dense<0xFF800000> : vector<4x264xf32>
      %reduce_max3A_304 = vector.multi_reduction <maximumf>, %add3A_302, %reduce_max3A_303 [2] : vector<4x264x264xf32> to vector<4x264xf32>
      %broadcast_in_dim3A_305 = vector.shape_cast %reduce_max3A_304 : vector<4x264xf32> to vector<4x264x1xf32>
      %sub3A_306 = vector.broadcast %broadcast_in_dim3A_305 : vector<4x264x1xf32> to vector<4x264x264xf32>
      %sub3A_307 = arith.subf %add3A_302, %sub3A_306 : vector<4x264x264xf32>
      %exp3A_308 = math.exp %sub3A_307 : vector<4x264x264xf32>
      %reduce_sum3A_309 = arith.constant dense<0.000000e+00> : vector<4x264xf32>
      %reduce_sum3A_310 = vector.multi_reduction <add>, %exp3A_308, %reduce_sum3A_309 [2] : vector<4x264x264xf32> to vector<4x264xf32>
      %broadcast_in_dim3A_311 = vector.shape_cast %reduce_sum3A_310 : vector<4x264xf32> to vector<4x264x1xf32>
      %div3A_312 = vector.broadcast %broadcast_in_dim3A_311 : vector<4x264x1xf32> to vector<4x264x264xf32>
      %div3A_313 = arith.divf %exp3A_308, %div3A_312 : vector<4x264x264xf32>
      %dot_general3A_314 = arith.constant dense<0.000000e+00> : vector<4x264x64xf32>
      %dot_general3A_315 = tpu.matmul %div3A_313, %slice3A_295, %dot_general3A_314 {dimension_numbers = #tpu.dot_dimension_numbers<[2], [1], [1], [2], [0, 0, 0, 1, 1, 2], [0], [0]>, transpose_lhs_hint = false} : vector<4x264x264xf32>, vector<4x264x64xf32>, vector<4x264x64xf32> -> vector<4x264x64xf32>
      %slice3A_316 = vector.extract_strided_slice %reshape3A {offsets = [0, 0, 576], sizes = [4, 264, 64], strides = [1, 1, 1]} : vector<4x264x2304xf32> to vector<4x264x64xf32>
      %slice3A_317 = vector.extract_strided_slice %reshape3A {offsets = [0, 0, 1344], sizes = [4, 264, 64], strides = [1, 1, 1]} : vector<4x264x2304xf32> to vector<4x264x64xf32>
      %slice3A_318 = vector.extract_strided_slice %reshape3A {offsets = [0, 0, 2112], sizes = [4, 264, 64], strides = [1, 1, 1]} : vector<4x264x2304xf32> to vector<4x264x64xf32>
      %dot_general3A_319 = arith.constant dense<0.000000e+00> : vector<4x264x264xf32>
      %dot_general3A_320 = tpu.matmul %slice3A_316, %slice3A_317, %dot_general3A_319 {dimension_numbers = #tpu.dot_dimension_numbers<[2], [2], [1], [1], [0, 0, 0, 1, 1, 1], [0], [0]>, transpose_lhs_hint = false} : vector<4x264x64xf32>, vector<4x264x64xf32>, vector<4x264x264xf32> -> vector<4x264x264xf32>
      %mul3A_321 = arith.constant 1.250000e-01 : f32
      %mul3A_322 = vector.broadcast %mul3A_321 : f32 to vector<4x264x264xf32>
      %mul3A_323 = arith.mulf %dot_general3A_320, %mul3A_322 : vector<4x264x264xf32>
      %add3A_324 = vector.broadcast %select_n3A : vector<1x1x264xf32> to vector<4x264x264xf32>
      %add3A_325 = arith.addf %mul3A_323, %add3A_324 : vector<4x264x264xf32>
      %reduce_max3A_326 = arith.constant dense<0xFF800000> : vector<4x264xf32>
      %reduce_max3A_327 = vector.multi_reduction <maximumf>, %add3A_325, %reduce_max3A_326 [2] : vector<4x264x264xf32> to vector<4x264xf32>
      %broadcast_in_dim3A_328 = vector.shape_cast %reduce_max3A_327 : vector<4x264xf32> to vector<4x264x1xf32>
      %sub3A_329 = vector.broadcast %broadcast_in_dim3A_328 : vector<4x264x1xf32> to vector<4x264x264xf32>
      %sub3A_330 = arith.subf %add3A_325, %sub3A_329 : vector<4x264x264xf32>
      %exp3A_331 = math.exp %sub3A_330 : vector<4x264x264xf32>
      %reduce_sum3A_332 = arith.constant dense<0.000000e+00> : vector<4x264xf32>
      %reduce_sum3A_333 = vector.multi_reduction <add>, %exp3A_331, %reduce_sum3A_332 [2] : vector<4x264x264xf32> to vector<4x264xf32>
      %broadcast_in_dim3A_334 = vector.shape_cast %reduce_sum3A_333 : vector<4x264xf32> to vector<4x264x1xf32>
      %div3A_335 = vector.broadcast %broadcast_in_dim3A_334 : vector<4x264x1xf32> to vector<4x264x264xf32>
      %div3A_336 = arith.divf %exp3A_331, %div3A_335 : vector<4x264x264xf32>
      %dot_general3A_337 = arith.constant dense<0.000000e+00> : vector<4x264x64xf32>
      %dot_general3A_338 = tpu.matmul %div3A_336, %slice3A_318, %dot_general3A_337 {dimension_numbers = #tpu.dot_dimension_numbers<[2], [1], [1], [2], [0, 0, 0, 1, 1, 2], [0], [0]>, transpose_lhs_hint = false} : vector<4x264x264xf32>, vector<4x264x64xf32>, vector<4x264x64xf32> -> vector<4x264x64xf32>
      %slice3A_339 = vector.extract_strided_slice %reshape3A {offsets = [0, 0, 640], sizes = [4, 264, 64], strides = [1, 1, 1]} : vector<4x264x2304xf32> to vector<4x264x64xf32>
      %slice3A_340 = vector.extract_strided_slice %reshape3A {offsets = [0, 0, 1408], sizes = [4, 264, 64], strides = [1, 1, 1]} : vector<4x264x2304xf32> to vector<4x264x64xf32>
      %slice3A_341 = vector.extract_strided_slice %reshape3A {offsets = [0, 0, 2176], sizes = [4, 264, 64], strides = [1, 1, 1]} : vector<4x264x2304xf32> to vector<4x264x64xf32>
      %dot_general3A_342 = arith.constant dense<0.000000e+00> : vector<4x264x264xf32>
      %dot_general3A_343 = tpu.matmul %slice3A_339, %slice3A_340, %dot_general3A_342 {dimension_numbers = #tpu.dot_dimension_numbers<[2], [2], [1], [1], [0, 0, 0, 1, 1, 1], [0], [0]>, transpose_lhs_hint = false} : vector<4x264x64xf32>, vector<4x264x64xf32>, vector<4x264x264xf32> -> vector<4x264x264xf32>
      %mul3A_344 = arith.constant 1.250000e-01 : f32
      %mul3A_345 = vector.broadcast %mul3A_344 : f32 to vector<4x264x264xf32>
      %mul3A_346 = arith.mulf %dot_general3A_343, %mul3A_345 : vector<4x264x264xf32>
      %add3A_347 = vector.broadcast %select_n3A : vector<1x1x264xf32> to vector<4x264x264xf32>
      %add3A_348 = arith.addf %mul3A_346, %add3A_347 : vector<4x264x264xf32>
      %reduce_max3A_349 = arith.constant dense<0xFF800000> : vector<4x264xf32>
      %reduce_max3A_350 = vector.multi_reduction <maximumf>, %add3A_348, %reduce_max3A_349 [2] : vector<4x264x264xf32> to vector<4x264xf32>
      %broadcast_in_dim3A_351 = vector.shape_cast %reduce_max3A_350 : vector<4x264xf32> to vector<4x264x1xf32>
      %sub3A_352 = vector.broadcast %broadcast_in_dim3A_351 : vector<4x264x1xf32> to vector<4x264x264xf32>
      %sub3A_353 = arith.subf %add3A_348, %sub3A_352 : vector<4x264x264xf32>
      %exp3A_354 = math.exp %sub3A_353 : vector<4x264x264xf32>
      %reduce_sum3A_355 = arith.constant dense<0.000000e+00> : vector<4x264xf32>
      %reduce_sum3A_356 = vector.multi_reduction <add>, %exp3A_354, %reduce_sum3A_355 [2] : vector<4x264x264xf32> to vector<4x264xf32>
      %broadcast_in_dim3A_357 = vector.shape_cast %reduce_sum3A_356 : vector<4x264xf32> to vector<4x264x1xf32>
      %div3A_358 = vector.broadcast %broadcast_in_dim3A_357 : vector<4x264x1xf32> to vector<4x264x264xf32>
      %div3A_359 = arith.divf %exp3A_354, %div3A_358 : vector<4x264x264xf32>
      %dot_general3A_360 = arith.constant dense<0.000000e+00> : vector<4x264x64xf32>
      %dot_general3A_361 = tpu.matmul %div3A_359, %slice3A_341, %dot_general3A_360 {dimension_numbers = #tpu.dot_dimension_numbers<[2], [1], [1], [2], [0, 0, 0, 1, 1, 2], [0], [0]>, transpose_lhs_hint = false} : vector<4x264x264xf32>, vector<4x264x64xf32>, vector<4x264x64xf32> -> vector<4x264x64xf32>
      %slice3A_362 = vector.extract_strided_slice %reshape3A {offsets = [0, 0, 704], sizes = [4, 264, 64], strides = [1, 1, 1]} : vector<4x264x2304xf32> to vector<4x264x64xf32>
      %slice3A_363 = vector.extract_strided_slice %reshape3A {offsets = [0, 0, 1472], sizes = [4, 264, 64], strides = [1, 1, 1]} : vector<4x264x2304xf32> to vector<4x264x64xf32>
      %slice3A_364 = vector.extract_strided_slice %reshape3A {offsets = [0, 0, 2240], sizes = [4, 264, 64], strides = [1, 1, 1]} : vector<4x264x2304xf32> to vector<4x264x64xf32>
      %dot_general3A_365 = arith.constant dense<0.000000e+00> : vector<4x264x264xf32>
      %dot_general3A_366 = tpu.matmul %slice3A_362, %slice3A_363, %dot_general3A_365 {dimension_numbers = #tpu.dot_dimension_numbers<[2], [2], [1], [1], [0, 0, 0, 1, 1, 1], [0], [0]>, transpose_lhs_hint = false} : vector<4x264x64xf32>, vector<4x264x64xf32>, vector<4x264x264xf32> -> vector<4x264x264xf32>
      %mul3A_367 = arith.constant 1.250000e-01 : f32
      %mul3A_368 = vector.broadcast %mul3A_367 : f32 to vector<4x264x264xf32>
      %mul3A_369 = arith.mulf %dot_general3A_366, %mul3A_368 : vector<4x264x264xf32>
      %add3A_370 = vector.broadcast %select_n3A : vector<1x1x264xf32> to vector<4x264x264xf32>
      %add3A_371 = arith.addf %mul3A_369, %add3A_370 : vector<4x264x264xf32>
      %reduce_max3A_372 = arith.constant dense<0xFF800000> : vector<4x264xf32>
      %reduce_max3A_373 = vector.multi_reduction <maximumf>, %add3A_371, %reduce_max3A_372 [2] : vector<4x264x264xf32> to vector<4x264xf32>
      %broadcast_in_dim3A_374 = vector.shape_cast %reduce_max3A_373 : vector<4x264xf32> to vector<4x264x1xf32>
      %sub3A_375 = vector.broadcast %broadcast_in_dim3A_374 : vector<4x264x1xf32> to vector<4x264x264xf32>
      %sub3A_376 = arith.subf %add3A_371, %sub3A_375 : vector<4x264x264xf32>
      %exp3A_377 = math.exp %sub3A_376 : vector<4x264x264xf32>
      %reduce_sum3A_378 = arith.constant dense<0.000000e+00> : vector<4x264xf32>
      %reduce_sum3A_379 = vector.multi_reduction <add>, %exp3A_377, %reduce_sum3A_378 [2] : vector<4x264x264xf32> to vector<4x264xf32>
      %broadcast_in_dim3A_380 = vector.shape_cast %reduce_sum3A_379 : vector<4x264xf32> to vector<4x264x1xf32>
      %div3A_381 = vector.broadcast %broadcast_in_dim3A_380 : vector<4x264x1xf32> to vector<4x264x264xf32>
      %div3A_382 = arith.divf %exp3A_377, %div3A_381 : vector<4x264x264xf32>
      %dot_general3A_383 = arith.constant dense<0.000000e+00> : vector<4x264x64xf32>
      %dot_general3A_384 = tpu.matmul %div3A_382, %slice3A_364, %dot_general3A_383 {dimension_numbers = #tpu.dot_dimension_numbers<[2], [1], [1], [2], [0, 0, 0, 1, 1, 2], [0], [0]>, transpose_lhs_hint = false} : vector<4x264x264xf32>, vector<4x264x64xf32>, vector<4x264x64xf32> -> vector<4x264x64xf32>
      %concatenate3A = tpu.concatenate %dot_general3A_131, %dot_general3A_154, %dot_general3A_177, %dot_general3A_200, %dot_general3A_223, %dot_general3A_246, %dot_general3A_269, %dot_general3A_292, %dot_general3A_315, %dot_general3A_338, %dot_general3A_361, %dot_general3A_384 in 2 : vector<4x264x64xf32>, vector<4x264x64xf32>, vector<4x264x64xf32>, vector<4x264x64xf32>, vector<4x264x64xf32>, vector<4x264x64xf32>, vector<4x264x64xf32>, vector<4x264x64xf32>, vector<4x264x64xf32>, vector<4x264x64xf32>, vector<4x264x64xf32>, vector<4x264x64xf32> -> vector<4x264x768xf32>
      %reshape3A_385 = vector.shape_cast %concatenate3A : vector<4x264x768xf32> to vector<1056x768xf32>
      %get3A_386 = arith.constant 0 : index
      %get3A_387 = arith.constant 0 : index
      %get3A_388 = arith.constant 0 : index
      %get3A_389 = vector.load %arg7[%get3A_386, %get3A_387, %get3A_388] : memref<1x768x768xf32, #tpu.memory_space<vmem>>, vector<1x768x768xf32>
      %get3A_390 = vector.shape_cast %get3A_389 : vector<1x768x768xf32> to vector<768x768xf32>
      %dot_general3A_391 = arith.constant dense<0.000000e+00> : vector<1056x768xf32>
      %dot_general3A_392 = tpu.matmul %reshape3A_385, %get3A_390, %dot_general3A_391 {dimension_numbers = #tpu.dot_dimension_numbers<[1], [0], [0], [1], [0, 0, 1, 1], [], []>, transpose_lhs_hint = false} : vector<1056x768xf32>, vector<768x768xf32>, vector<1056x768xf32> -> vector<1056x768xf32>
      %add3A_393 = arith.addf %get3A_60, %dot_general3A_392 : vector<1056x768xf32>
      %get3A_394 = arith.constant 0 : index
      %get3A_395 = arith.constant 0 : index
      %get3A_396 = arith.constant 0 : index
      %get3A_397 = vector.load %arg8[%get3A_394, %get3A_395, %get3A_396] : memref<1x1x768xf32, #tpu.memory_space<vmem>>, vector<1x1x768xf32>
      %get3A_398 = vector.shape_cast %get3A_397 : vector<1x1x768xf32> to vector<1x768xf32>
      %add3A_399 = vector.broadcast %get3A_398 : vector<1x768xf32> to vector<1056x768xf32>
      %add3A_400 = arith.addf %add3A_393, %add3A_399 : vector<1056x768xf32>
      %swap3A_401 = arith.constant 0 : index
      %swap3A_402 = arith.constant 0 : index
      %swap3A_403 = vector.load %arg20[%swap3A_401, %swap3A_402] : memref<1056x768xf32, #tpu.memory_space<vmem>>, vector<1056x768xf32>
      tpu.vector_store %arg20[%swap3A_401, %swap3A_402], %add3A_400 {strides = array<i32>} : memref<1056x768xf32, #tpu.memory_space<vmem>>, vector<1056x768xf32>,
      %get3A_404 = arith.constant 0 : index
      %get3A_405 = arith.constant 0 : index
      %get3A_406 = arith.constant 0 : index
      %get3A_407 = vector.load %arg9[%get3A_404, %get3A_405, %get3A_406] : memref<1x1x768xf32, #tpu.memory_space<vmem>>, vector<1x1x768xf32>
      %get3A_408 = vector.shape_cast %get3A_407 : vector<1x1x768xf32> to vector<1x768xf32>
      %get3A_409 = arith.constant 0 : index
      %get3A_410 = arith.constant 0 : index
      %get3A_411 = arith.constant 0 : index
      %get3A_412 = vector.load %arg10[%get3A_409, %get3A_410, %get3A_411] : memref<1x1x768xf32, #tpu.memory_space<vmem>>, vector<1x1x768xf32>
      %get3A_413 = vector.shape_cast %get3A_412 : vector<1x1x768xf32> to vector<1x768xf32>
      %reduce_sum3A_414 = arith.constant dense<0.000000e+00> : vector<1056xf32>
      %reduce_sum3A_415 = vector.multi_reduction <add>, %add3A_400, %reduce_sum3A_414 [1] : vector<1056x768xf32> to vector<1056xf32>
      %broadcast_in_dim3A_416 = vector.shape_cast %reduce_sum3A_415 : vector<1056xf32> to vector<1056x1xf32>
      %div3A_417 = arith.constant 7.680000e+02 : f32
      %div3A_418 = vector.broadcast %div3A_417 : f32 to vector<1056x1xf32>
      %div3A_419 = arith.divf %broadcast_in_dim3A_416, %div3A_418 : vector<1056x1xf32>
      %sub3A_420 = vector.broadcast %div3A_419 : vector<1056x1xf32> to vector<1056x768xf32>
      %sub3A_421 = arith.subf %add3A_400, %sub3A_420 : vector<1056x768xf32>
      %integer_pow3A_422 = arith.mulf %sub3A_421, %sub3A_421 : vector<1056x768xf32>
      %reduce_sum3A_423 = arith.constant dense<0.000000e+00> : vector<1056xf32>
      %reduce_sum3A_424 = vector.multi_reduction <add>, %integer_pow3A_422, %reduce_sum3A_423 [1] : vector<1056x768xf32> to vector<1056xf32>
      %broadcast_in_dim3A_425 = vector.shape_cast %reduce_sum3A_424 : vector<1056xf32> to vector<1056x1xf32>
      %div3A_426 = arith.constant 7.680000e+02 : f32
      %div3A_427 = vector.broadcast %div3A_426 : f32 to vector<1056x1xf32>
      %div3A_428 = arith.divf %broadcast_in_dim3A_425, %div3A_427 : vector<1056x1xf32>
      %sub3A_429 = vector.broadcast %div3A_419 : vector<1056x1xf32> to vector<1056x768xf32>
      %sub3A_430 = arith.subf %add3A_400, %sub3A_429 : vector<1056x768xf32>
      %add3A_431 = arith.constant 9.99999974E-6 : f32
      %add3A_432 = vector.broadcast %add3A_431 : f32 to vector<1056x1xf32>
      %add3A_433 = arith.addf %div3A_428, %add3A_432 : vector<1056x1xf32>
      %sqrt3A_434 = math.sqrt %add3A_433 : vector<1056x1xf32>
      %div3A_435 = vector.broadcast %sqrt3A_434 : vector<1056x1xf32> to vector<1056x768xf32>
      %div3A_436 = arith.divf %sub3A_430, %div3A_435 : vector<1056x768xf32>
      %mul3A_437 = vector.broadcast %get3A_408 : vector<1x768xf32> to vector<1056x768xf32>
      %mul3A_438 = arith.mulf %div3A_436, %mul3A_437 : vector<1056x768xf32>
      %add3A_439 = vector.broadcast %get3A_413 : vector<1x768xf32> to vector<1056x768xf32>
      %add3A_440 = arith.addf %mul3A_438, %add3A_439 : vector<1056x768xf32>
      %swap3A_441 = arith.constant 0 : index
      %swap3A_442 = arith.constant 0 : index
      %swap3A_443 = vector.load %arg22[%swap3A_441, %swap3A_442] : memref<1056x768xf32, #tpu.memory_space<vmem>>, vector<1056x768xf32>
      tpu.vector_store %arg22[%swap3A_441, %swap3A_442], %add3A_440 {strides = array<i32>} : memref<1056x768xf32, #tpu.memory_space<vmem>>, vector<1056x768xf32>,
      %broadcast_in_dim3A_444 = arith.constant 0.000000e+00 : f32
      %broadcast_in_dim3A_445 = vector.broadcast %broadcast_in_dim3A_444 : f32 to vector<1056x768xf32>
      %swap3A_446 = arith.constant 0 : index
      %swap3A_447 = arith.constant 0 : index
      %swap3A_448 = vector.load %arg21[%swap3A_446, %swap3A_447] : memref<1056x768xf32, #tpu.memory_space<vmem>>, vector<1056x768xf32>
      tpu.vector_store %arg21[%swap3A_446, %swap3A_447], %broadcast_in_dim3A_445 {strides = array<i32>} : memref<1056x768xf32, #tpu.memory_space<vmem>>, vector<1056x768xf32>,
    } else {
    }
    %get3A = arith.constant 0 : index
    %get3A_9 = arith.constant 0 : index
    %get3A_10 = vector.load %arg20[%get3A, %get3A_9] : memref<1056x768xf32, #tpu.memory_space<vmem>>, vector<1056x768xf32>
    %get3A_11 = arith.constant 0 : index
    %get3A_12 = arith.constant 0 : index
    %get3A_13 = vector.load %arg22[%get3A_11, %get3A_12] : memref<1056x768xf32, #tpu.memory_space<vmem>>, vector<1056x768xf32>
    %get3A_14 = arith.constant 0 : index
    %get3A_15 = arith.constant 0 : index
    %get3A_16 = arith.constant 0 : index
    %get3A_17 = vector.load %arg11[%get3A_14, %get3A_15, %get3A_16] : memref<1x768x768xf32, #tpu.memory_space<vmem>>, vector<1x768x768xf32>
    %get3A_18 = vector.shape_cast %get3A_17 : vector<1x768x768xf32> to vector<768x768xf32>
    %dot_general3A = arith.constant dense<0.000000e+00> : vector<1056x768xf32>
    %dot_general3A_19 = tpu.matmul %get3A_13, %get3A_18, %dot_general3A {dimension_numbers = #tpu.dot_dimension_numbers<[1], [0], [0], [1], [0, 0, 1, 1], [], []>, transpose_lhs_hint = false} : vector<1056x768xf32>, vector<768x768xf32>, vector<1056x768xf32> -> vector<1056x768xf32>
    %get3A_20 = arith.constant 0 : index
    %get3A_21 = arith.constant 0 : index
    %get3A_22 = arith.constant 0 : index
    %get3A_23 = vector.load %arg12[%get3A_20, %get3A_21, %get3A_22] : memref<1x1x768xf32, #tpu.memory_space<vmem>>, vector<1x1x768xf32>
    %get3A_24 = vector.shape_cast %get3A_23 : vector<1x1x768xf32> to vector<1x768xf32>
    %add3A = vector.broadcast %get3A_24 : vector<1x768xf32> to vector<1056x768xf32>
    %add3A_25 = arith.addf %dot_general3A_19, %add3A : vector<1056x768xf32>
    %integer_pow3A = arith.mulf %add3A_25, %add3A_25 : vector<1056x768xf32>
    %integer_pow3A_26 = arith.mulf %add3A_25, %integer_pow3A : vector<1056x768xf32>
    %mul3A = arith.constant 4.471500e-02 : f32
    %mul3A_27 = vector.broadcast %mul3A : f32 to vector<1056x768xf32>
    %mul3A_28 = arith.mulf %mul3A_27, %integer_pow3A_26 : vector<1056x768xf32>
    %add3A_29 = arith.addf %add3A_25, %mul3A_28 : vector<1056x768xf32>
    %mul3A_30 = arith.constant 0.797884583 : f32
    %mul3A_31 = vector.broadcast %mul3A_30 : f32 to vector<1056x768xf32>
    %mul3A_32 = arith.mulf %mul3A_31, %add3A_29 : vector<1056x768xf32>
    %tanh3A = math.tanh %mul3A_32 : vector<1056x768xf32>
    %add3A_33 = arith.constant 1.000000e+00 : f32
    %add3A_34 = vector.broadcast %add3A_33 : f32 to vector<1056x768xf32>
    %add3A_35 = arith.addf %add3A_34, %tanh3A : vector<1056x768xf32>
    %mul3A_36 = arith.constant 5.000000e-01 : f32
    %mul3A_37 = vector.broadcast %mul3A_36 : f32 to vector<1056x768xf32>
    %mul3A_38 = arith.mulf %mul3A_37, %add3A_35 : vector<1056x768xf32>
    %mul3A_39 = arith.mulf %add3A_25, %mul3A_38 : vector<1056x768xf32>
    %get3A_40 = arith.constant 0 : index
    %get3A_41 = arith.constant 0 : index
    %get3A_42 = vector.load %arg21[%get3A_40, %get3A_41] : memref<1056x768xf32, #tpu.memory_space<vmem>>, vector<1056x768xf32>
    %get3A_43 = arith.constant 0 : index
    %get3A_44 = arith.constant 0 : index
    %get3A_45 = arith.constant 0 : index
    %get3A_46 = vector.load %arg13[%get3A_43, %get3A_44, %get3A_45] : memref<1x768x768xf32, #tpu.memory_space<vmem>>, vector<1x768x768xf32>
    %get3A_47 = vector.shape_cast %get3A_46 : vector<1x768x768xf32> to vector<768x768xf32>
    %dot_general3A_48 = arith.constant dense<0.000000e+00> : vector<1056x768xf32>
    %dot_general3A_49 = tpu.matmul %mul3A_39, %get3A_47, %dot_general3A_48 {dimension_numbers = #tpu.dot_dimension_numbers<[1], [0], [0], [1], [0, 0, 1, 1], [], []>, transpose_lhs_hint = false} : vector<1056x768xf32>, vector<768x768xf32>, vector<1056x768xf32> -> vector<1056x768xf32>
    %add3A_50 = arith.addf %get3A_42, %dot_general3A_49 : vector<1056x768xf32>
    %swap3A = arith.constant 0 : index
    %swap3A_51 = arith.constant 0 : index
    %swap3A_52 = vector.load %arg21[%swap3A, %swap3A_51] : memref<1056x768xf32, #tpu.memory_space<vmem>>, vector<1056x768xf32>
    tpu.vector_store %arg21[%swap3A, %swap3A_51], %add3A_50 {strides = array<i32>} : memref<1056x768xf32, #tpu.memory_space<vmem>>, vector<1056x768xf32>,
    %eq3A_53 = arith.constant 3 : i32
    %eq3A_54 = arith.cmpi eq, %arg1, %eq3A_53 : i32
    %convert_element_type3A_55 = arith.extui %eq3A_54 : i1 to i32
    %cond3A_56 = arith.constant 0 : i32
    %cond3A_57 = arith.cmpi ne, %convert_element_type3A_55, %cond3A_56 : i32
    scf.if %cond3A_57 {
      %get3A_58 = arith.constant 0 : index
      %get3A_59 = arith.constant 0 : index
      %get3A_60 = vector.load %arg21[%get3A_58, %get3A_59] : memref<1056x768xf32, #tpu.memory_space<vmem>>, vector<1056x768xf32>
      %add3A_61 = arith.addf %get3A_10, %get3A_60 : vector<1056x768xf32>
      %get3A_62 = arith.constant 0 : index
      %get3A_63 = arith.constant 0 : index
      %get3A_64 = arith.constant 0 : index
      %get3A_65 = vector.load %arg14[%get3A_62, %get3A_63, %get3A_64] : memref<1x1x768xf32, #tpu.memory_space<vmem>>, vector<1x1x768xf32>
      %get3A_66 = vector.shape_cast %get3A_65 : vector<1x1x768xf32> to vector<1x768xf32>
      %add3A_67 = vector.broadcast %get3A_66 : vector<1x768xf32> to vector<1056x768xf32>
      %add3A_68 = arith.addf %add3A_61, %add3A_67 : vector<1056x768xf32>
      %swap3A_69 = arith.constant 0 : index
      %swap3A_70 = arith.constant 0 : index
      %swap3A_71 = vector.load %arg20[%swap3A_69, %swap3A_70] : memref<1056x768xf32, #tpu.memory_space<vmem>>, vector<1056x768xf32>
      tpu.vector_store %arg20[%swap3A_69, %swap3A_70], %add3A_68 {strides = array<i32>} : memref<1056x768xf32, #tpu.memory_space<vmem>>, vector<1056x768xf32>,
      %eq3A_72 = arith.constant 11 : i32
      %eq3A_73 = arith.cmpi eq, %arg0, %eq3A_72 : i32
      %convert_element_type3A_74 = arith.extui %eq3A_73 : i1 to i32
      %cond3A_75 = arith.constant 0 : i32
      %cond3A_76 = arith.cmpi ne, %convert_element_type3A_74, %cond3A_75 : i32
      scf.if %cond3A_76 {
        %reshape3A = vector.shape_cast %add3A_68 : vector<1056x768xf32> to vector<4x264x768xf32>
        %slice3A = vector.extract_strided_slice %reshape3A {offsets = [0, 0, 0], sizes = [4, 1, 768], strides = [1, 1, 1]} : vector<4x264x768xf32> to vector<4x1x768xf32>
        %squeeze3A = vector.shape_cast %slice3A : vector<4x1x768xf32> to vector<4x768xf32>
        %get3A_77 = arith.constant 0 : index
        %get3A_78 = vector.load %arg15[%get3A_77] : memref<768xf32, #tpu.memory_space<vmem>>, vector<768xf32>
        %get3A_79 = arith.constant 0 : index
        %get3A_80 = vector.load %arg16[%get3A_79] : memref<768xf32, #tpu.memory_space<vmem>>, vector<768xf32>
        %reduce_sum3A = arith.constant dense<0.000000e+00> : vector<4xf32>
        %reduce_sum3A_81 = vector.multi_reduction <add>, %squeeze3A, %reduce_sum3A [1] : vector<4x768xf32> to vector<4xf32>
        %broadcast_in_dim3A = vector.shape_cast %reduce_sum3A_81 : vector<4xf32> to vector<4x1xf32>
        %div3A = arith.constant 7.680000e+02 : f32
        %div3A_82 = vector.broadcast %div3A : f32 to vector<4x1xf32>
        %div3A_83 = arith.divf %broadcast_in_dim3A, %div3A_82 : vector<4x1xf32>
        %sub3A = vector.broadcast %div3A_83 : vector<4x1xf32> to vector<4x768xf32>
        %sub3A_84 = arith.subf %squeeze3A, %sub3A : vector<4x768xf32>
        %integer_pow3A_85 = arith.mulf %sub3A_84, %sub3A_84 : vector<4x768xf32>
        %reduce_sum3A_86 = arith.constant dense<0.000000e+00> : vector<4xf32>
        %reduce_sum3A_87 = vector.multi_reduction <add>, %integer_pow3A_85, %reduce_sum3A_86 [1] : vector<4x768xf32> to vector<4xf32>
        %broadcast_in_dim3A_88 = vector.shape_cast %reduce_sum3A_87 : vector<4xf32> to vector<4x1xf32>
        %div3A_89 = arith.constant 7.680000e+02 : f32
        %div3A_90 = vector.broadcast %div3A_89 : f32 to vector<4x1xf32>
        %div3A_91 = arith.divf %broadcast_in_dim3A_88, %div3A_90 : vector<4x1xf32>
        %sub3A_92 = vector.broadcast %div3A_83 : vector<4x1xf32> to vector<4x768xf32>
        %sub3A_93 = arith.subf %squeeze3A, %sub3A_92 : vector<4x768xf32>
        %add3A_94 = arith.constant 9.99999974E-6 : f32
        %add3A_95 = vector.broadcast %add3A_94 : f32 to vector<4x1xf32>
        %add3A_96 = arith.addf %div3A_91, %add3A_95 : vector<4x1xf32>
        %sqrt3A = math.sqrt %add3A_96 : vector<4x1xf32>
        %div3A_97 = vector.broadcast %sqrt3A : vector<4x1xf32> to vector<4x768xf32>
        %div3A_98 = arith.divf %sub3A_93, %div3A_97 : vector<4x768xf32>
        %broadcast_in_dim3A_99 = vector.shape_cast %get3A_78 : vector<768xf32> to vector<1x768xf32>
        %mul3A_100 = vector.broadcast %broadcast_in_dim3A_99 : vector<1x768xf32> to vector<4x768xf32>
        %mul3A_101 = arith.mulf %div3A_98, %mul3A_100 : vector<4x768xf32>
        %broadcast_in_dim3A_102 = vector.shape_cast %get3A_80 : vector<768xf32> to vector<1x768xf32>
        %add3A_103 = vector.broadcast %broadcast_in_dim3A_102 : vector<1x768xf32> to vector<4x768xf32>
        %add3A_104 = arith.addf %mul3A_101, %add3A_103 : vector<4x768xf32>
        %get3A_105 = arith.constant 0 : index
        %get3A_106 = arith.constant 0 : index
        %get3A_107 = vector.load %arg17[%get3A_105, %get3A_106] : memref<768x512xf32, #tpu.memory_space<vmem>>, vector<768x512xf32>
        %dot_general3A_108 = arith.constant dense<0.000000e+00> : vector<4x512xf32>
        %dot_general3A_109 = tpu.matmul %add3A_104, %get3A_107, %dot_general3A_108 {dimension_numbers = #tpu.dot_dimension_numbers<[1], [0], [0], [1], [0, 0, 1, 1], [], []>, transpose_lhs_hint = false} : vector<4x768xf32>, vector<768x512xf32>, vector<4x512xf32> -> vector<4x512xf32>
        %get3A_110 = arith.constant 0 : index
        %get3A_111 = vector.load %arg18[%get3A_110] : memref<512xf32, #tpu.memory_space<vmem>>, vector<512xf32>
        %broadcast_in_dim3A_112 = vector.shape_cast %get3A_111 : vector<512xf32> to vector<1x512xf32>
        %add3A_113 = vector.broadcast %broadcast_in_dim3A_112 : vector<1x512xf32> to vector<4x512xf32>
        %add3A_114 = arith.addf %dot_general3A_109, %add3A_113 : vector<4x512xf32>
        %broadcast_in_dim3A_115 = arith.constant 0.000000e+00 : f32
        %broadcast_in_dim3A_116 = vector.broadcast %broadcast_in_dim3A_115 : f32 to vector<4x512xf32>
        %concatenate3A = tpu.concatenate %add3A_114, %broadcast_in_dim3A_116 in 0 : vector<4x512xf32>, vector<4x512xf32> -> vector<8x512xf32>
        %swap3A_117 = arith.constant 0 : index
        %swap3A_118 = arith.constant 0 : index
        %swap3A_119 = vector.load %arg19[%swap3A_117, %swap3A_118] : memref<8x512xf32, #tpu.memory_space<vmem>>, vector<8x512xf32>
        tpu.vector_store %arg19[%swap3A_117, %swap3A_118], %concatenate3A {strides = array<i32>} : memref<8x512xf32, #tpu.memory_space<vmem>>, vector<8x512xf32>,
      } else {
      }
    } else {
    }
    return
  }
  func.func @transform_0(%arg0: i32, %arg1: i32) -> (i32, i32) {
    %c0_i32 = arith.constant 0 : i32
    %c0_i32_0 = arith.constant 0 : i32
    %c0_i32_1 = arith.constant 0 : i32
    return %c0_i32, %c0_i32_0 : i32, i32
  }
  func.func @transform_1(%arg0: i32, %arg1: i32) -> (i32, i32, i32) {
    %c0_i32 = arith.constant 0 : i32
    %c0_i32_0 = arith.constant 0 : i32
    %c0_i32_1 = arith.constant 0 : i32
    return %arg0, %c0_i32, %c0_i32_0 : i32, i32, i32
  }
  func.func @transform_2(%arg0: i32, %arg1: i32) -> (i32, i32, i32) {
    %c0_i32 = arith.constant 0 : i32
    %c0_i32_0 = arith.constant 0 : i32
    %c0_i32_1 = arith.constant 0 : i32
    return %arg0, %c0_i32, %c0_i32_0 : i32, i32, i32
  }
  func.func @transform_3(%arg0: i32, %arg1: i32) -> (i32, i32, i32) {
    %c0_i32 = arith.constant 0 : i32
    %c0_i32_0 = arith.constant 0 : i32
    %c0_i32_1 = arith.constant 0 : i32
    return %arg0, %c0_i32, %c0_i32_0 : i32, i32, i32
  }
  func.func @transform_4(%arg0: i32, %arg1: i32) -> (i32, i32, i32) {
    %c0_i32 = arith.constant 0 : i32
    %c0_i32_0 = arith.constant 0 : i32
    %c0_i32_1 = arith.constant 0 : i32
    return %arg0, %c0_i32, %c0_i32_0 : i32, i32, i32
  }
  func.func @transform_5(%arg0: i32, %arg1: i32) -> (i32, i32, i32) {
    %c0_i32 = arith.constant 0 : i32
    %c0_i32_0 = arith.constant 0 : i32
    %c0_i32_1 = arith.constant 0 : i32
    return %arg0, %c0_i32, %c0_i32_0 : i32, i32, i32
  }
  func.func @transform_6(%arg0: i32, %arg1: i32) -> (i32, i32, i32) {
    %c0_i32 = arith.constant 0 : i32
    %c0_i32_0 = arith.constant 0 : i32
    %c0_i32_1 = arith.constant 0 : i32
    return %arg0, %c0_i32, %c0_i32_0 : i32, i32, i32
  }
  func.func @transform_7(%arg0: i32, %arg1: i32) -> (i32, i32, i32) {
    %c0_i32 = arith.constant 0 : i32
    %c0_i32_0 = arith.constant 0 : i32
    %c0_i32_1 = arith.constant 0 : i32
    return %arg0, %c0_i32, %c0_i32_0 : i32, i32, i32
  }
  func.func @transform_8(%arg0: i32, %arg1: i32) -> (i32, i32, i32) {
    %c0_i32 = arith.constant 0 : i32
    %c0_i32_0 = arith.constant 0 : i32
    %c0_i32_1 = arith.constant 0 : i32
    return %arg0, %c0_i32, %c0_i32_0 : i32, i32, i32
  }
  func.func @transform_9(%arg0: i32, %arg1: i32) -> (i32, i32, i32) {
    %c0_i32 = arith.constant 0 : i32
    %c0_i32_0 = arith.constant 0 : i32
    return %arg0, %c0_i32, %arg1 : i32, i32, i32
  }
  func.func @transform_10(%arg0: i32, %arg1: i32) -> (i32, i32, i32) {
    %c0_i32 = arith.constant 0 : i32
    %c0_i32_0 = arith.constant 0 : i32
    return %arg0, %c0_i32, %arg1 : i32, i32, i32
  }
  func.func @transform_11(%arg0: i32, %arg1: i32) -> (i32, i32, i32) {
    %c0_i32 = arith.constant 0 : i32
    %c0_i32_0 = arith.constant 0 : i32
    return %arg0, %arg1, %c0_i32 : i32, i32, i32
  }
  func.func @transform_12(%arg0: i32, %arg1: i32) -> (i32, i32, i32) {
    %c0_i32 = arith.constant 0 : i32
    %c0_i32_0 = arith.constant 0 : i32
    %c0_i32_1 = arith.constant 0 : i32
    return %arg0, %c0_i32, %c0_i32_0 : i32, i32, i32
  }
  func.func @transform_13(%arg0: i32, %arg1: i32) -> i32 {
    %c0_i32 = arith.constant 0 : i32
    %c0_i32_0 = arith.constant 0 : i32
    return %c0_i32 : i32
  }
  func.func @transform_14(%arg0: i32, %arg1: i32) -> i32 {
    %c0_i32 = arith.constant 0 : i32
    %c0_i32_0 = arith.constant 0 : i32
    return %c0_i32 : i32
  }
  func.func @transform_15(%arg0: i32, %arg1: i32) -> (i32, i32) {
    %c0_i32 = arith.constant 0 : i32
    %c0_i32_0 = arith.constant 0 : i32
    %c0_i32_1 = arith.constant 0 : i32
    return %c0_i32, %c0_i32_0 : i32, i32
  }
  func.func @transform_16(%arg0: i32, %arg1: i32) -> i32 {
    %c0_i32 = arith.constant 0 : i32
    %c0_i32_0 = arith.constant 0 : i32
    return %c0_i32 : i32
  }
  func.func @transform_17(%arg0: i32, %arg1: i32) -> (i32, i32) {
    %c0_i32 = arith.constant 0 : i32
    %c0_i32_0 = arith.constant 0 : i32
    %c0_i32_1 = arith.constant 0 : i32
    return %c0_i32, %c0_i32_0 : i32, i32
  }
}

</mosaic_0001>

<sc_bundles>
// kernel: kernel.7.cloned.1.call-start
scs
__scs_entry_jumppad:
0x0: {  	(pc) =	sbr.rel $0x88, $3  }
0x1: {  	(tag) =	ssettag $0x0;
	lr =	simm.s32 $0x1  }
0x2: {  	[smem:$0x3F7B] =	sst lr;
	_ =	strace $0xD0000000  }
0x3: {  	_ = 	snop  }
0x4: {  	_ = 	snop  }
0x5: {  	_ = 	snop  }
0x6: {  	_ = 	snop  }
0x7: {  	_ = 	snop  }
__scs_overlays_trampoline_lowered:
0x8: {  	[smem:$0x3F8A] =	sst s0  }
0x9: {  	[smem:$0x3F8B] =	sst s1  }
0xa: {  	[smem:$0x3F8C] =	sst s2  }
0xb: {  	[smem:$0x3F8D] =	sst s3  }
0xc: {  	[smem:$0x3F8E] =	sst s4  }
0xd: {  	[smem:$0x3F8F] =	sst s5  }
0xe: {  	[smem:$0x3F90] =	sst s6  }
0xf: {  	[smem:$0x3F91] =	sst s7  }
0x10: {  	[smem:$0x3F92] =	sst s8  }
0x11: {  	[smem:$0x3F93] =	sst s9;
	s0 =	simm.s32 @!p0 $0x0  }
0x12: {  	s1 =	sld [smem:$0x3F79];
	s0 =	simm.s32 @p0 $0x1  }
0x13: {  	[smem:$0x3F94] =	sst s0;
	s0 =	simm.s32 @!p1 $0x0  }
0x14: {  	s2 =	sld [smem:$0x3F78];
	s0 =	simm.s32 @p1 $0x1  }
0x15: {  	[smem:$0x3F95] =	sst s0;
	s0 =	simm.s32 @!p2 $0x0  }
0x16: {  	s3 =	sld [smem:$0x3FDB];
	s0 =	simm.s32 @p2 $0x1  }
0x17: {  	s4 =	simm.s32 $0x1BF5;
	[smem:$0x3F97] =	sst s0  }
0x18: {  	s0 =	sld [smem:$0x3F7A];
	_ =	swait.ge [sflag:s4], $0x0  }
0x19: {  	s7 =	sld [smem:$0x3F7B]  }
0x1a: {  	s8 =	sadd.s32 $0xFFFFE003, lr  }
0x1b: {  	s9 =	sadd.s32 $0xFFFFFEF7, lr;
	s5 =	simm.s32 $0xFFFFFFFF;
	p2 =	slt.u32 s8, $0xFFFFF086  }
0x1c: {  	p1 =	slt.u32 s9, $0xF7A;
	s5 =	simm.s32 @!p2 $0x0  }
0x1d: {  	s5 =	simm.s32 @p1 $0x1;
	p0 =	seq.s32 s7, s2  }
0x1e: {  	s7 =	smul.u32 @!p0 $0xF7A, s2;
	p2 =	seq.s32 @!p0 s5, $0x0  }
0x1f: {  	s9 =	smul.u32 $0xF7A, s1;
	s8 =	simm.s32 @!p0 $0x1BF5;
	p2 =	por !p2, p0  }
0x20: {  	[sflag:s8] =	ssyncset.s32 @!p0 $0xFFFFF086;
	s6 =	sadd.s32 @!p0 s3, s7;
	s7 =	simm.s32 @!p0 $0x108  }
0x21: {  	s3 =	sadd.s32 s3, s9;
	s6 =	sadd.s32 @!p0 $0x88, s6;
	s7 =	simm.s32 @p2 $0x1082  }
0x22: {  	[simem:s7], [sflag:s8] =	dma.local @!p0 [hbm:s6], $0xF7A  }
0x23: {  	s9 =	sor.u32 $0xD0000000, s2;
	s6 =	simm.s32 $0x108;
	_ =	swait.ge @!p0 [sflag:s8], $0x0  }
0x24: {  	s3 =	sadd.s32 $0x88, s3;
	s6 =	simm.s32 @!p1 $0x1082;
	[sflag:s4] =	ssyncset.s32 $0xFFFFF086  }
0x25: {  	[simem:s6], [sflag:s4] =	dma.local [hbm:s3], $0xF7A  }
0x26: {  	[smem:$0x3F7B] =	sst s1;
	(tag) =	ssettag s2;
	_ =	strace s9  }
0x27: {  	s1 =	sld [smem:$0x3F8B]  }
0x28: {  	s2 =	sld [smem:$0x3F8C]  }
0x29: {  	s4 =	sld [smem:$0x3F8E]  }
0x2a: {  	p0 =	seq.s32 s5, $0x0;
	s5 =	sld [smem:$0x3F8F]  }
0x2b: {  	s6 =	sld [smem:$0x3F90]  }
0x2c: {  	s7 =	sld [smem:$0x3F91]  }
0x2d: {  	s3 =	simm.s32 $0x108;
	s8 =	sld [smem:$0x3F92]  }
0x2e: {  	s3 =	simm.s32 @!p0 $0x1082;
	s9 =	sld [smem:$0x3F93]  }
0x2f: {  	lr =	sadd.s32 s0, s3;
	s0 =	sld [smem:$0x3F8A]  }
0x30: {  	s3 =	sld [smem:$0x3F8D]  }
0x31: {  	[smem:$0x3F96] =	sst s10  }
0x32: {  	s10 =	sld [smem:$0x3F94];
	_ =	sdelay $0x3  }
0x33: {  	p0 =	seq.s32 s10, $0x1;
	s10 =	sld [smem:$0x3F96];
	_ =	sdelay $0x3  }
0x34: {  	[smem:$0x3F96] =	sst s10  }
0x35: {  	s10 =	sld [smem:$0x3F95];
	_ =	sdelay $0x3  }
0x36: {  	p1 =	seq.s32 s10, $0x1;
	s10 =	sld [smem:$0x3F96];
	_ =	sdelay $0x3  }
0x37: {  	[smem:$0x3F96] =	sst s10  }
0x38: {  	s10 =	sld [smem:$0x3F97]  }
0x39: {  	_ = 	snop;
	(pc) =	sbr.ind lr, $3  }
0x3a: {  	_ = 	snop  }
0x3b: {  	_ = 	snop  }
0x3c: {  	p2 =	seq.s32 s10, $0x1;
	s10 =	sld [smem:$0x3F96]  }
0x3d: {  	_ =	shalt  }
0x3e: {  	_ =	shalt  }
0x3f: {  	_ =	shalt  }
0x40: {  	_ =	shalt  }
0x41: {  	_ =	shalt  }
0x42: {  	_ =	shalt  }
0x43: {  	_ =	shalt  }
0x44: {  	_ =	shalt  }
0x45: {  	_ =	shalt  }
0x46: {  	_ =	shalt  }
0x47: {  	_ =	shalt  }
0x48: {  	_ =	shalt  }
0x49: {  	_ =	shalt  }
0x4a: {  	_ =	shalt  }
0x4b: {  	_ =	shalt  }
0x4c: {  	_ =	shalt  }
0x4d: {  	_ =	shalt  }
0x4e: {  	_ =	shalt  }
0x4f: {  	_ =	shalt  }
0x50: {  	_ =	shalt  }
0x51: {  	_ =	shalt  }
0x52: {  	_ =	shalt  }
0x53: {  	_ =	shalt  }
0x54: {  	_ =	shalt  }
0x55: {  	_ =	shalt  }
0x56: {  	_ =	shalt  }
0x57: {  	_ =	shalt  }
0x58: {  	_ =	shalt  }
0x59: {  	_ =	shalt  }
0x5a: {  	_ =	shalt  }
0x5b: {  	_ =	shalt  }
0x5c: {  	_ =	shalt  }
0x5d: {  	_ =	shalt  }
0x5e: {  	_ =	shalt  }
0x5f: {  	_ =	shalt  }
0x60: {  	_ =	shalt  }
0x61: {  	_ =	shalt  }
0x62: {  	_ =	shalt  }
0x63: {  	_ =	shalt  }
0x64: {  	_ =	shalt  }
0x65: {  	_ =	shalt  }
0x66: {  	_ =	shalt  }
0x67: {  	_ =	shalt  }
0x68: {  	_ =	shalt  }
0x69: {  	_ =	shalt  }
0x6a: {  	_ =	shalt  }
0x6b: {  	_ =	shalt  }
0x6c: {  	_ =	shalt  }
0x6d: {  	_ =	shalt  }
0x6e: {  	_ =	shalt  }
0x6f: {  	_ =	shalt  }
0x70: {  	_ =	shalt  }
0x71: {  	_ =	shalt  }
0x72: {  	_ =	shalt  }
0x73: {  	_ =	shalt  }
0x74: {  	_ =	shalt  }
0x75: {  	_ =	shalt  }
0x76: {  	_ =	shalt  }
0x77: {  	_ =	shalt  }
0x78: {  	_ =	shalt  }
0x79: {  	_ =	shalt  }
0x7a: {  	_ =	shalt  }
0x7b: {  	_ =	shalt  }
0x7c: {  	_ =	shalt  }
0x7d: {  	_ =	shalt  }
0x7e: {  	_ =	shalt  }
0x7f: {  	_ =	shalt  }
0x80: {  	_ =	shalt  }
0x81: {  	_ =	shalt  }
0x82: {  	_ =	shalt  }
0x83: {  	_ =	shalt  }
0x84: {  	_ =	shalt  }
0x85: {  	_ =	shalt  }
0x86: {  	_ =	shalt  }
0x87: {  	_ =	shalt  }
.Lfunc_end0:
.L_simem_size_0:
called_computation_lowered:
.L_overlay_start_0:
0x88: {  	s2 =	sld [smem:$0x3FD9]  }
0x89: {  	s3 =	sld [smem:$0x3FFE];
	_ =	sdelay $0x1  }
0x8a: {  	s1 =	srdreg.scid  }
0x8b: {  	s0 =	sand.u32 $0x1, s1  }
0x8c: {  	s16 =	sshll.u32 s0, $0xA;
	s2 =	sadd.s32 s3, s2  }
0x8d: {  	s2 =	sadd.s32 s2, s16  }
0x8e: {  	[smem:$0x3FA2] =	sst s2  }
0x8f: {  	_ = 	snop  }
0x90: {  	(tm) =	ssettm $0x1  }
0x91: {  	s17 =	sld [smem:$0x3FFB];
	_ =	sdelay $0x3  }
0x92: {  	_ =	strace s17  }
0x93: {  	s2 =	sld [smem:$0x3FFC];
	_ =	sdelay $0x3  }
0x94: {  	_ =	strace s2  }
0x95: {  	s2 =	sld [smem:$0x3FFD];
	_ =	sdelay $0x3  }
0x96: {  	_ =	strace s2  }
0x97: {  	_ =	strace $0x8FFFFFFF  }
0x98: {  	s18 =	sld [smem:$0x3FDB];
	_ =	sdelay $0x1  }
0x99: {  	s19 =	simm.s32 $_scs_section_size  }
0x9a: {  	s4 =	simm.s32 $_size__tile_overlayer_lowered;
	s5 =	simm.s32 $_tile_overlayer_lowered  }
0x9b: {  	s22 =	simm.s32 $0x1BFF;
	s21 =	sshll.u32 s5, $0x1;
	s2 =	sadd.s32 s19, s18  }
0x9c: {  	s6 =	simm.s32 $0x0;
	s20 =	sshll.u32 s4, $0x1;
	s4 =	sadd.s32 s21, s2  }
0x9d: {  	[timem:s6], [sflag:s22] =	dma.local [hbm:s4], s20  }
0x9e: {  	_ =	swait.ge [sflag:s22], s20  }
0x9f: {  	s3 =	ssub.s32 $0x0, s20;
	[sflag:s22] =	ssyncset.done $0x0  }
0xa0: {  	[sflag:s22] =	ssyncadd.s32 s3;
	_ =	sdelay $0x1  }
0xa1: {  	s23 =	simm.s32 $0x1B8B  }
0xa2: {  	_ =	swait.ge [sflag:s23], $0x1  }
0xa3: {  	[sflag:s23] =	ssyncset.done $0x0  }
0xa4: {  	s25 =	simm.s32 $0x1B8E;
	s24 =	sld [smem:$0x3FFE];
	[sflag:s23] =	ssyncadd.s32 $0xFFFFFFFF  }
0xa5: {  	s26 =	simm.s32 $execute0_lowered;
	[smem:$0x3FD2] =	sst s25  }
0xa6: {  	s4 =	sshll.u32 s26, $0x1;
	_ =	strace $0x80000046;
	[dreg:$0x1] =	wrdreg $0xFFFFFFFF  }
0xa7: {  	s28 =	simm.s32 $_size_execute0_lowered;
	s2 =	sadd.s32 s2, s4;
	[dreg:$0x0] =	wrdreg $0x0  }
0xa8: {  	s4 =	sshll.u32 s28, $0x1;
	[dreg:$0x2] =	wrdreg s2  }
0xa9: {  	[dreg:$0x3] =	wrdreg s4  }
0xaa: {  	[dreg:$0x4] =	wrdreg $0xC0  }
0xab: {  	_ =	task [dreg:s6], $0x5FFFF  }
0xac: {  	[dreg:$0x1] =	wrdreg $0xFFFFFFFF  }
0xad: {  	[dreg:$0x0] =	wrdreg $0x60  }
0xae: {  	[dreg:$0x2] =	wrdreg s24  }
0xaf: {  	[dreg:$0x3] =	wrdreg $0x9  }
0xb0: {  	_ =	task.clear_ibuf [dreg:s6], $0x4FFFF;
	_ =	strace $0x90000046  }
0xb1: {  	s29 =	simm.s32 $0x9;
	_ =	strace $0x80000048  }
0xb2: {  	_ =	swait.ge [sflag:s29], $0x1  }
0xb3: {  	[sflag:s29] =	ssyncadd.s32 $0xFFFFFFFF  }
0xb4: {  	_ =	strace $0x90000048  }
0xb5: {  	_ =	sfence  }
0xb6: {  	s30 =	sld [smem:$0x0];
	_ =	sdelay $0x2  }
0xb7: {  	s31 =	sshll.u32 s1, $0xD;
	s1 =	sshrl.u32 s1, $0x2  }
0xb8: {  	s3 =	sand.u32 $0x4000, s31;
	s1 =	sadd.s32 s1, s30  }
0xb9: {  	s0 =	sor.u32 s3, s0;
	s1 =	sshll.u32 s1, $0x11  }
0xba: {  	s0 =	sor.u32 s1, s0  }
0xbb: {  	s0 =	sadd.s32 $0x8F2B, s0  }
0xbc: {  	[sflag:s0] =	ssyncadd.remote.s32 $0x1  }
0xbd: {  	_ =	sfence.sel $0xFFFF  }
0xbe: {  	[dreg:$0x0] =	wrdreg $0xFFFFFFFF;
	(pc) =	sbr.abs _section_cstart, $3  }
0xbf: {  	[dreg:$0x1] =	wrdreg $0xFFFFFFFF  }
0xc0: {  	_ =	task.clear_ibuf [dreg:s6], $0x2FFFF;
	_ =	strace $0x9FFFFFFF  }
0xc1: {  	(tm) =	ssettm $0x7FFFFFFF  }
tec
execute0_lowered:
.L_overlay_start_1:
0x0: {  	(tag) =	ssettag $0x1  }
0x1: {  	s1 =	srdreg.scid  }
0x2: {  	s0 =	stileid.u32;
	s23 =	sand.u32 $0x1, s1  }
0x3: {  	s31 =	sshll.u32 s0, $0xB;
	s2 =	sshll.u32 s23, $0xA  }
0x4: {  	s22 =	rddreg [dreg:$0x0];
	s24 =	sor.u32 s2, s31  }
0x5: {  	s1 =	rddreg [dreg:$0x1];
	s2 =	simm.s32 $0x0;
	s3 =	sshrl.u32 s24, $0x3  }
0x6: {  	[smem:$0x7FF] =	sst s2;
	s3 =	sadd.s32 s3, s22  }
0x7: {  	_ =	strace $0x80000047;
	s4 =	sadd.s32 $0x3A00, s3;
	s3 =	simm.s32 $0x2  }
0x8: {  	[tilespmem:s2], [sflag:$0x2] =	stream.linear.gather [hbm4b:s4+s2], $0x400, $0x38;
	[tilespmem:$0x4400] =	vst v63  }
0x9: {  	_ =	swait.ge [sflag:s3], $0x400  }
0xa: {  	s6 =	simm.s32 $0x80;
	[sflag:s3] =	ssyncset.done $0x0  }
0xb: {  	s7 =	simm.s32 $0x400;
	s5 =	sadd.s32 $0x83A00, s22;
	[sflag:s3] =	ssyncadd.s32 $0xFFFFFC00  }
0xc: {  	[tilespmem:s7], [sflag:$0x1] =	stream.indirect.gather [hbm4b:s5+s6], $0x10, s2, s6, $0xb8;
	[tilespmem:$0x4400] =	vst v63  }
0xd: {  	s8 =	simm.s32 $0xC00  }
0xe: {  	[tilespmem:s8], [sflag:$0x1] =	stream.indirect.gather [hbm4b:s5+s6], $0x10, s6, s6, $0xb8;
	[tilespmem:$0x4400] =	vst v63  }
0xf: {  	s9 =	simm.s32 $0x100;
	s10 =	simm.s32 $0x1400  }
0x10: {  	[tilespmem:s10], [sflag:$0x1] =	stream.indirect.gather [hbm4b:s5+s6], $0x10, s9, s6, $0xb8;
	[tilespmem:$0x4400] =	vst v63  }
0x11: {  	s11 =	simm.s32 $0x180;
	s12 =	simm.s32 $0x1C00  }
0x12: {  	[tilespmem:s12], [sflag:$0x1] =	stream.indirect.gather [hbm4b:s5+s6], $0x10, s11, s6, $0xb8;
	[tilespmem:$0x4400] =	vst v63  }
0x13: {  	s13 =	simm.s32 $0x200;
	s14 =	simm.s32 $0x2400  }
0x14: {  	[tilespmem:s14], [sflag:$0x1] =	stream.indirect.gather [hbm4b:s5+s6], $0x10, s13, s6, $0xb8;
	[tilespmem:$0x4400] =	vst v63  }
0x15: {  	s15 =	simm.s32 $0x280;
	s16 =	simm.s32 $0x2C00  }
0x16: {  	[tilespmem:s16], [sflag:$0x1] =	stream.indirect.gather [hbm4b:s5+s6], $0x10, s15, s6, $0xb8;
	[tilespmem:$0x4400] =	vst v63  }
0x17: {  	s17 =	simm.s32 $0x300;
	s18 =	simm.s32 $0x3400  }
0x18: {  	[tilespmem:s18], [sflag:$0x1] =	stream.indirect.gather [hbm4b:s5+s6], $0x10, s17, s6, $0xb8;
	[tilespmem:$0x4400] =	vst v63  }
0x19: {  	s19 =	simm.s32 $0x380;
	s20 =	simm.s32 $0x3C00;
	s21 =	simm.s32 $0x1  }
0x1a: {  	[tilespmem:s20], [sflag:$0x1] =	stream.indirect.gather [hbm4b:s5+s6], $0x10, s19, s6, $0xb8;
	[tilespmem:$0x4400] =	vst v63  }
0x1b: {  	_ =	swait.ge [sflag:s21], $0x800  }
0x1c: {  	[sflag:s21] =	ssyncset.done $0x0  }
0x1d: {  	[sflag:s21] =	ssyncadd.s32 $0xFFFFF800  }
0x1e: {  	_ =	swait.ge [sflag:s21], $0x800  }
0x1f: {  	[sflag:s21] =	ssyncset.done $0x0  }
0x20: {  	[sflag:s21] =	ssyncadd.s32 $0xFFFFF800  }
0x21: {  	_ =	swait.ge [sflag:s21], $0x800  }
0x22: {  	[sflag:s21] =	ssyncset.done $0x0  }
0x23: {  	[sflag:s21] =	ssyncadd.s32 $0xFFFFF800  }
0x24: {  	_ =	swait.ge [sflag:s21], $0x800  }
0x25: {  	[sflag:s21] =	ssyncset.done $0x0  }
0x26: {  	[sflag:s21] =	ssyncadd.s32 $0xFFFFF800  }
0x27: {  	_ =	swait.ge [sflag:s21], $0x800  }
0x28: {  	[sflag:s21] =	ssyncset.done $0x0  }
0x29: {  	[sflag:s21] =	ssyncadd.s32 $0xFFFFF800  }
0x2a: {  	_ =	swait.ge [sflag:s21], $0x800  }
0x2b: {  	[sflag:s21] =	ssyncset.done $0x0  }
0x2c: {  	s23 =	ssub.s32 $0x2, s23;
	[sflag:s21] =	ssyncadd.s32 $0xFFFFF800  }
0x2d: {  	s25 =	sshrl.u32 s23, $0x1;
	_ =	swait.ge [sflag:s21], $0x800  }
0x2e: {  	s23 =	ssub.s32 s23, s25;
	[sflag:s21] =	ssyncset.done $0x0  }
0x2f: {  	s23 =	smax.u32 s23, $0x1;
	[sflag:s21] =	ssyncadd.s32 $0xFFFFF800  }
0x30: {  	s24 =	sshll.u32 s24, $0x1;
	p0 =	sne.s32 s23, $0x1;
	_ =	swait.ge [sflag:s21], $0x800  }
.Ltmp0:
0x31: {  	s22 =	sadd.s32 s24, s22;
	[sflag:s21] =	ssyncset.done $0x0;
	(pc) =	sbr.rel @!p0 .LBB2_2-.Ltmp0, $4  }
0x32: {  	s22 =	sadd.s32 $0x4A00, s22;
	[sflag:s21] =	ssyncadd.s32 $0xFFFFF800  }
0x33: {  	[hbm4b:s22+s2] =	stream.linear.scatter [tilespmem:s7], [sflag:$0x2], $0x4000, $0x38;
	[tilespmem:$0x4400] =	vst v63  }
0x34: {  	_ =	swait.ge [sflag:s3], $0x4000  }
0x35: {  	s23 =	sadd.s32 $0xFFFFFFFF, s23;
	[sflag:s3] =	ssyncset.done $0x0  }
.LBB2_1:
0x36: {  	p0 =	sne.s32 s23, $0x1;
	s23 =	sadd.s32 $0xFFFFFFFF, s23;
	[sflag:s3] =	ssyncadd.s32 $0xFFFFC000  }
0x37: {  	[tilespmem:s2], [sflag:$0x2] =	stream.linear.gather [hbm4b:s4+s2], $0x400, $0x38;
	[tilespmem:$0x4400] =	vst v63  }
0x38: {  	_ =	swait.ge [sflag:s3], $0x400  }
0x39: {  	[sflag:s3] =	ssyncset.done $0x0  }
0x3a: {  	[sflag:s3] =	ssyncadd.s32 $0xFFFFFC00  }
0x3b: {  	[tilespmem:s7], [sflag:$0x1] =	stream.indirect.gather [hbm4b:s5+s6], $0x10, s2, s6, $0xb8;
	[tilespmem:$0x4400] =	vst v63  }
0x3c: {  	_ = 	snop  }
0x3d: {  	[tilespmem:s8], [sflag:$0x1] =	stream.indirect.gather [hbm4b:s5+s6], $0x10, s6, s6, $0xb8;
	[tilespmem:$0x4400] =	vst v63  }
0x3e: {  	_ = 	snop  }
0x3f: {  	[tilespmem:s10], [sflag:$0x1] =	stream.indirect.gather [hbm4b:s5+s6], $0x10, s9, s6, $0xb8;
	[tilespmem:$0x4400] =	vst v63  }
0x40: {  	_ = 	snop  }
0x41: {  	[tilespmem:s12], [sflag:$0x1] =	stream.indirect.gather [hbm4b:s5+s6], $0x10, s11, s6, $0xb8;
	[tilespmem:$0x4400] =	vst v63  }
0x42: {  	_ = 	snop  }
0x43: {  	[tilespmem:s14], [sflag:$0x1] =	stream.indirect.gather [hbm4b:s5+s6], $0x10, s13, s6, $0xb8;
	[tilespmem:$0x4400] =	vst v63  }
0x44: {  	_ = 	snop  }
0x45: {  	[tilespmem:s16], [sflag:$0x1] =	stream.indirect.gather [hbm4b:s5+s6], $0x10, s15, s6, $0xb8;
	[tilespmem:$0x4400] =	vst v63  }
0x46: {  	_ = 	snop  }
0x47: {  	[tilespmem:s18], [sflag:$0x1] =	stream.indirect.gather [hbm4b:s5+s6], $0x10, s17, s6, $0xb8;
	[tilespmem:$0x4400] =	vst v63  }
0x48: {  	_ = 	snop  }
0x49: {  	[tilespmem:s20], [sflag:$0x1] =	stream.indirect.gather [hbm4b:s5+s6], $0x10, s19, s6, $0xb8;
	[tilespmem:$0x4400] =	vst v63  }
0x4a: {  	_ =	swait.ge [sflag:s21], $0x800  }
0x4b: {  	[sflag:s21] =	ssyncset.done $0x0  }
0x4c: {  	[sflag:s21] =	ssyncadd.s32 $0xFFFFF800  }
0x4d: {  	_ =	swait.ge [sflag:s21], $0x800  }
0x4e: {  	[sflag:s21] =	ssyncset.done $0x0  }
0x4f: {  	[sflag:s21] =	ssyncadd.s32 $0xFFFFF800  }
0x50: {  	_ =	swait.ge [sflag:s21], $0x800  }
0x51: {  	[sflag:s21] =	ssyncset.done $0x0  }
0x52: {  	[sflag:s21] =	ssyncadd.s32 $0xFFFFF800  }
0x53: {  	_ =	swait.ge [sflag:s21], $0x800  }
0x54: {  	[sflag:s21] =	ssyncset.done $0x0  }
0x55: {  	[sflag:s21] =	ssyncadd.s32 $0xFFFFF800  }
0x56: {  	_ =	swait.ge [sflag:s21], $0x800  }
0x57: {  	[sflag:s21] =	ssyncset.done $0x0  }
0x58: {  	[sflag:s21] =	ssyncadd.s32 $0xFFFFF800  }
0x59: {  	_ =	swait.ge [sflag:s21], $0x800  }
0x5a: {  	[sflag:s21] =	ssyncset.done $0x0  }
0x5b: {  	[sflag:s21] =	ssyncadd.s32 $0xFFFFF800  }
0x5c: {  	_ =	swait.ge [sflag:s21], $0x800  }
0x5d: {  	[sflag:s21] =	ssyncset.done $0x0  }
0x5e: {  	[sflag:s21] =	ssyncadd.s32 $0xFFFFF800  }
0x5f: {  	_ =	swait.ge [sflag:s21], $0x800  }
.Ltmp1:
0x60: {  	[sflag:s21] =	ssyncset.done $0x0;
	(pc) =	sbr.rel @p0 .LBB2_1-.Ltmp1, $4  }
0x61: {  	[sflag:s21] =	ssyncadd.s32 $0xFFFFF800  }
0x62: {  	[hbm4b:s22+s2] =	stream.linear.scatter [tilespmem:s7], [sflag:$0x2], $0x4000, $0x38;
	[tilespmem:$0x4400] =	vst v63  }
0x63: {  	_ =	swait.ge [sflag:s3], $0x4000  }
0x64: {  	[sflag:s3] =	ssyncset.done $0x0  }
.LBB2_2:
0x65: {  	[sflag:s3] =	ssyncadd.s32 $0xFFFFC000  }
0x66: {  	_ =	sfence.sel $0x180000  }
0x67: {  	[bflag:$0x0] =	sbarrier.arrive $0xFFFF  }
0x68: {  	p0 =	sne.s32 s0, $0x0;
	_ =	strace $0x90000047  }
0x69: {  	s0 =	sadd.s32 @!p0 $0x100000, s1;
	[bflag:$0x2] =	sbarrier.arrive $0xFFFF  }
0x6a: {  	[sflag:s0] =	ssyncadd.tile.s32 @!p0 $0x1;
	_ =	shalt  }
.Lfunc_end2:
_tile_overlayer_lowered:
.L_overlay_start_2:
0x6b: {  	(tag) =	ssettag $0x2  }
0x6c: {  	s0 =	rddreg [dreg:$0x0];
	s2 =	stileid.u32  }
0x6d: {  	s1 =	rddreg [dreg:$0x1];
	p0 =	sne.s32 s2, $0x0  }
0x6e: {  	s3 =	rddreg [dreg:$0x2];
	[bflag:$0x3] =	sbarrier.arrive $0xFFFF;
	s2 =	simm.s32 @!p0 $0x1C02  }
0x6f: {  	[timem:s3], [sflag:s2] =	dma.local @!p0 [hbm:s0], s1  }
0x70: {  	s0 =	simm.s32 @!p0 $0x2  }
0x71: {  	_ =	swait.ge @!p0 [sflag:s0], s1  }
0x72: {  	s1 =	ssub.s32 @!p0 $0x0, s1;
	[sflag:s0] =	ssyncset.done @!p0 $0x0  }
0x73: {  	[sflag:s0] =	ssyncadd.s32 @!p0 s1  }
0x74: {  	[bflag:$0x3] =	sbarrier.arrive $0xFFFF  }
0x75: {  	_ =	shalt  }

</sc_bundles>
